<compile_context>
chip_gen: v7x
topology: tpu7x:2x2x1
jax: 0.10.2.dev20260603
libtpu: 0.0.44.dev20260713+nightly
codegen_flags: <defaults>
</compile_context>

<pallas_src>
import functools

import jax
import jax.numpy as jnp
from jax import lax
from jax.experimental import pallas as pl
from jax.experimental.pallas import tpu as pltpu
from jax.experimental.pallas import tpu_sc as plsc

KNN = 20
EPSV = 1e-5
SLOPE = 0.2
NEGF = -3.0e38

B = 8
N = 2048
CIN = 3
COUT = 64
DPAD = 16
RT = 256
RN = 256
RF = 512
MBLK = KNN * RN
MTOT = B * N * KNN

NW = 32
RPW = MTOT // NW
CHW = 128
CH = RPW // CHW
NBUF = 8
GRP = CH // NBUF


def _topk_body(x_ref, xt_ref, idx_ref):
    b = pl.program_id(0)
    j = pl.program_id(1)
    xb = x_ref[0]
    xx = jnp.sum(xb * xb, axis=0)
    xr = xt_ref[0, pl.ds(j * RT, RT), :]
    inner = lax.dot_general(xr, xb, (((1,), (0,)), ((), ())),
                            preferred_element_type=jnp.float32)
    xxr = jnp.sum(xr * xr, axis=1, keepdims=True)
    sc = -(xxr - 2.0 * inner + xx[None, :])
    iota = lax.broadcasted_iota(jnp.int32, (RT, N), 1)
    cols = []
    m = jnp.max(sc, axis=1, keepdims=True)
    for t in range(KNN):
        cand = jnp.where(sc == m, iota, N)
        cols.append(jnp.min(cand, axis=1, keepdims=True))
        if t < KNN - 1:
            nxt = jnp.where(sc >= m, NEGF, sc)
            m = jnp.max(nxt, axis=1, keepdims=True)
    idx_ref[0] = jnp.concatenate(cols, axis=1) + b * N


def _topk_call(x, xt):
    return pl.pallas_call(
        _topk_body,
        grid=(B, N // RT),
        in_specs=[
            pl.BlockSpec((1, CIN, N), lambda b, j: (b, 0, 0)),
            pl.BlockSpec((1, N, CIN), lambda b, j: (b, 0, 0)),
        ],
        out_specs=pl.BlockSpec((1, RT, KNN), lambda b, j: (b, j, 0)),
        out_shape=jax.ShapeDtypeStruct((B, N, KNN), jnp.int32),
    )(x, xt)


def _sc_gather_body(table_hbm, idx_hbm, out_hbm, idx_v, bufs, gsem, ssem):
    wid = lax.axis_index("s") * 2 + lax.axis_index("c")
    pltpu.sync_copy(idx_hbm.at[wid], idx_v)
    row0 = wid * RPW

    def group(g, carry):
        gets = []
        for t in range(NBUF):
            j = g * NBUF + t
            gets.append(pltpu.async_copy(
                table_hbm.at[idx_v.at[j]], bufs.at[t], gsem))
        for cp in gets:
            cp.wait()
        puts = []
        for t in range(NBUF):
            j = g * NBUF + t
            puts.append(pltpu.async_copy(
                bufs.at[t], out_hbm.at[pl.ds(row0 + j * CHW, CHW)], ssem))
        for cp in puts:
            cp.wait()
        return carry

    lax.fori_loop(0, GRP, group, 0)


def _sc_gather(table, idx3):
    f = pl.kernel(
        _sc_gather_body,
        out_type=jax.ShapeDtypeStruct((MTOT, DPAD), jnp.float32),
        mesh=plsc.VectorSubcoreMesh(core_axis_name="c", subcore_axis_name="s"),
        scratch_types=[
            pltpu.VMEM((CH, CHW), jnp.int32),
            pltpu.VMEM((NBUF, CHW, DPAD), jnp.float32),
            pltpu.SemaphoreType.DMA,
            pltpu.SemaphoreType.DMA,
        ],
        compiler_params=pltpu.CompilerParams(use_tc_tiling_on_sc=False),
    )
    return f(table, idx3)


RN8 = RN // 8
PLN = 8 * COUT
PBLK = KNN * RN8


def _fold8(v):
    r = v[0:COUT]
    for s in range(1, 8):
        r = r + v[s * COUT:(s + 1) * COUT]
    return r


def _stats1_body(g_ref, xt8_ref, w1p8_ref, w1d8_ref, s_ref, q_ref):
    b = pl.program_id(0)
    j = pl.program_id(1)
    g2 = g_ref[:, 0].reshape(PBLK, 8 * DPAD)
    y1a = lax.dot_general(g2, w1p8_ref[...], (((1,), (0,)), ((), ())),
                          preferred_element_type=jnp.float32)
    yi = lax.dot_general(xt8_ref[0], w1d8_ref[...], (((1,), (0,)), ((), ())),
                         preferred_element_type=jnp.float32)
    y1 = y1a.reshape(KNN, RN8, PLN) + yi[None, :, :]
    y1 = y1.reshape(PBLK, PLN)
    ps = _fold8(jnp.sum(y1, axis=0))
    pq = _fold8(jnp.sum(y1 * y1, axis=0))

    @pl.when(j == 0)
    def _init():
        s_ref[pl.ds(b, 1), :] = ps[None, :]
        q_ref[pl.ds(b, 1), :] = pq[None, :]

    @pl.when(j > 0)
    def _acc():
        s_ref[pl.ds(b, 1), :] += ps[None, :]
        q_ref[pl.ds(b, 1), :] += pq[None, :]


def _stats1_call(garr, xt8, w1p8, w1d8):
    return pl.pallas_call(
        _stats1_body,
        grid=(B, N // RN),
        in_specs=[
            pl.BlockSpec((KNN, 1, RN8, 8 * DPAD), lambda b, j: (0, b, j, 0)),
            pl.BlockSpec((1, RN8, 8 * CIN), lambda b, j: (b, j, 0)),
            pl.BlockSpec((8 * DPAD, PLN), lambda b, j: (0, 0)),
            pl.BlockSpec((8 * CIN, PLN), lambda b, j: (0, 0)),
        ],
        out_specs=[
            pl.BlockSpec((B, COUT), lambda b, j: (0, 0)),
            pl.BlockSpec((B, COUT), lambda b, j: (0, 0)),
        ],
        out_shape=[
            jax.ShapeDtypeStruct((B, COUT), jnp.float32),
            jax.ShapeDtypeStruct((B, COUT), jnp.float32),
        ],
    )(garr, xt8, w1p8, w1d8)


def _stats2_body(g_ref, xt8_ref, w1p8_ref, w1d8_ref, gb1_ref, s1_ref, q1_ref,
                 w2b_ref, s_ref, q_ref, mx_ref, mn_ref):
    b = pl.program_id(0)
    j = pl.program_id(1)
    mean1 = jnp.sum(s1_ref[...], axis=0) * (1.0 / MTOT)
    var1 = jnp.sum(q1_ref[...], axis=0) * (1.0 / MTOT) - mean1 * mean1
    a1 = gb1_ref[0] * lax.rsqrt(var1 + EPSV)
    c1 = gb1_ref[1] - mean1 * a1
    a1t = jnp.concatenate([a1] * 8)
    c1t = jnp.concatenate([c1] * 8)

    g2 = g_ref[:, 0].reshape(PBLK, 8 * DPAD)
    y1a = lax.dot_general(g2, w1p8_ref[...], (((1,), (0,)), ((), ())),
                          preferred_element_type=jnp.float32)
    yi = lax.dot_general(xt8_ref[0], w1d8_ref[...], (((1,), (0,)), ((), ())),
                         preferred_element_type=jnp.float32)
    y1 = y1a.reshape(KNN, RN8, PLN) + yi[None, :, :]
    z1 = a1t[None, None, :] * y1 + c1t[None, None, :]
    z1 = jnp.where(z1 > 0, z1, SLOPE * z1)
    y2 = lax.dot_general(z1.reshape(PBLK, PLN), w2b_ref[...],
                         (((1,), (0,)), ((), ())),
                         preferred_element_type=jnp.float32)
    ps = _fold8(jnp.sum(y2, axis=0))
    pq = _fold8(jnp.sum(y2 * y2, axis=0))
    y3 = y2.reshape(KNN, RN8, PLN)
    mx8 = jnp.max(y3, axis=0)
    mn8 = jnp.min(y3, axis=0)
    for s in range(8):
        mx_ref[0, s] = mx8[:, s * COUT:(s + 1) * COUT]
        mn_ref[0, s] = mn8[:, s * COUT:(s + 1) * COUT]

    @pl.when(j == 0)
    def _init():
        s_ref[pl.ds(b, 1), :] = ps[None, :]
        q_ref[pl.ds(b, 1), :] = pq[None, :]

    @pl.when(j > 0)
    def _acc():
        s_ref[pl.ds(b, 1), :] += ps[None, :]
        q_ref[pl.ds(b, 1), :] += pq[None, :]


def _stats2_call(garr, xt8, w1p8, w1d8, gb1, s1, q1, w2b):
    return pl.pallas_call(
        _stats2_body,
        grid=(B, N // RN),
        in_specs=[
            pl.BlockSpec((KNN, 1, RN8, 8 * DPAD), lambda b, j: (0, b, j, 0)),
            pl.BlockSpec((1, RN8, 8 * CIN), lambda b, j: (b, j, 0)),
            pl.BlockSpec((8 * DPAD, PLN), lambda b, j: (0, 0)),
            pl.BlockSpec((8 * CIN, PLN), lambda b, j: (0, 0)),
            pl.BlockSpec((2, COUT), lambda b, j: (0, 0)),
            pl.BlockSpec((B, COUT), lambda b, j: (0, 0)),
            pl.BlockSpec((B, COUT), lambda b, j: (0, 0)),
            pl.BlockSpec((PLN, PLN), lambda b, j: (0, 0)),
        ],
        out_specs=[
            pl.BlockSpec((B, COUT), lambda b, j: (0, 0)),
            pl.BlockSpec((B, COUT), lambda b, j: (0, 0)),
            pl.BlockSpec((1, 8, RN8, COUT), lambda b, j: (b, 0, j, 0)),
            pl.BlockSpec((1, 8, RN8, COUT), lambda b, j: (b, 0, j, 0)),
        ],
        out_shape=[
            jax.ShapeDtypeStruct((B, COUT), jnp.float32),
            jax.ShapeDtypeStruct((B, COUT), jnp.float32),
            jax.ShapeDtypeStruct((B, 8, N // 8, COUT), jnp.float32),
            jax.ShapeDtypeStruct((B, 8, N // 8, COUT), jnp.float32),
        ],
    )(garr, xt8, w1p8, w1d8, gb1, s1, q1, w2b)


N8 = N // 8


def _final_body(mx_ref, mn_ref, gb2_ref, s2_ref, q2_ref, o_ref):
    mean2 = jnp.sum(s2_ref[...], axis=0) * (1.0 / MTOT)
    var2 = jnp.sum(q2_ref[...], axis=0) * (1.0 / MTOT) - mean2 * mean2
    a2 = gb2_ref[0] * lax.rsqrt(var2 + EPSV)
    c2 = gb2_ref[1] - mean2 * a2
    mx = mx_ref[0]
    mn = mn_ref[0]
    a2b = a2[None, None, :]
    t = jnp.maximum(a2b * mx, a2b * mn) + c2[None, None, :]
    t = jnp.where(t > 0, t, SLOPE * t)
    for s in range(8):
        o_ref[0, :, pl.ds(s * N8, N8)] = t[s].T


def _final_call(mx, mn, gb2, s2, q2):
    return pl.pallas_call(
        _final_body,
        grid=(B,),
        in_specs=[
            pl.BlockSpec((1, 8, N8, COUT), lambda b: (b, 0, 0, 0)),
            pl.BlockSpec((1, 8, N8, COUT), lambda b: (b, 0, 0, 0)),
            pl.BlockSpec((2, COUT), lambda b: (0, 0)),
            pl.BlockSpec((B, COUT), lambda b: (0, 0)),
            pl.BlockSpec((B, COUT), lambda b: (0, 0)),
        ],
        out_specs=pl.BlockSpec((1, COUT, N), lambda b: (b, 0, 0)),
        out_shape=jax.ShapeDtypeStruct((B, COUT, N), jnp.float32),
    )(mx, mn, gb2, s2, q2)


def kernel(x, W1, g1, b1, W2, g2, b2):
    x = x.astype(jnp.float32)
    xt = jnp.transpose(x, (0, 2, 1))
    idx = _topk_call(x, xt)
    idxP = jnp.transpose(idx, (2, 0, 1)).reshape(KNN, B, 8, N // 8)
    idx3 = jnp.transpose(idxP, (0, 1, 3, 2)).reshape(NW, CH, CHW)
    table = jnp.pad(xt.reshape(B * N, CIN), ((0, 0), (0, DPAD - CIN)))
    garr = _sc_gather(table, idx3).reshape(KNN, B, N // 8, 8 * DPAD)
    xt8 = jnp.transpose(xt.reshape(B, 8, N // 8, CIN),
                        (0, 2, 1, 3)).reshape(B, N // 8, 8 * CIN)
    eye8 = jnp.eye(8, dtype=jnp.float32)
    w1p = jnp.pad(W1[:, :CIN], ((0, 0), (0, DPAD - CIN))).T
    w1d = (W1[:, CIN:] - W1[:, :CIN]).T
    w1p8 = jnp.kron(eye8, w1p)
    w1d8 = jnp.kron(eye8, w1d)
    w2b = jnp.kron(eye8, W2.T)
    s1, q1 = _stats1_call(garr, xt8, w1p8, w1d8)
    gb1 = jnp.stack([g1, b1])
    s2, q2, mx, mn = _stats2_call(garr, xt8, w1p8, w1d8, gb1, s1, q1, w2b)
    gb2 = jnp.stack([g2, b2])
    return _final_call(mx, mn, gb2, s2, q2)

# --- scband reference (transcript-rebuilt; emitter-appended) ---
"""Pipeline reference for scband-edge-conv-21844203667619 (READ-ONLY COPY).

The authoritative reference and input builder live on the scoring server;
editing this copy changes nothing except your own understanding.
"""

import jax, jax.numpy as jnp
import numpy as np

K = 20
EPS = 1e-5
NEG_SLOPE = 0.2


def knn_idx(x, k):
    # x: [B, C, N] -> idx: [B, N, k] (includes self as nearest)
    inner = jnp.einsum('bcn,bcm->bnm', x, x)
    xx = jnp.sum(x * x, axis=1)  # [B, N]
    neg_dist = -(xx[:, :, None] - 2.0 * inner + xx[:, None, :])
    _, idx = jax.lax.top_k(neg_dist, k)
    return idx


def group(x, k):
    # DGCNN get_graph_feature: concat(x_j - x_i, x_i) -> [B, 2C, N, k]
    B, C, N = x.shape
    idx = knn_idx(x, k)  # [B, N, k]
    xt = jnp.transpose(x, (0, 2, 1))  # [B, N, C]
    gather = jax.vmap(lambda feats, ids: feats[ids])(xt, idx)  # [B, N, k, C]
    center = jnp.broadcast_to(xt[:, :, None, :], gather.shape)
    feat = jnp.concatenate([gather - center, center], axis=-1)  # [B, N, k, 2C]
    return jnp.transpose(feat, (0, 3, 1, 2))  # [B, 2C, N, k]


def conv_bn_lrelu(x, W, gamma, beta):
    # 1x1 Conv2d (no bias) + BatchNorm2d (training-mode batch stats) + LeakyReLU(0.2)
    y = jnp.einsum('oi,bink->bonk', W, x)
    mean = jnp.mean(y, axis=(0, 2, 3), keepdims=True)
    var = jnp.var(y, axis=(0, 2, 3), keepdims=True)
    yhat = (y - mean) / jnp.sqrt(var + EPS)
    y = gamma[None, :, None, None] * yhat + beta[None, :, None, None]
    return jnp.where(y > 0, y, NEG_SLOPE * y)


def setup_inputs(seed: int = 0) -> dict:
    key = jax.random.key(seed)
    k1, k2, k3 = jax.random.split(key, 3)
    x = jax.random.normal(k1, (8, 3, 2048), dtype=jnp.float32)
    W1 = jax.random.normal(k2, (64, 6), dtype=jnp.float32) * (1.0 / np.sqrt(6.0))
    g1 = jnp.ones((64,), dtype=jnp.float32)
    b1 = jnp.zeros((64,), dtype=jnp.float32)
    W2 = jax.random.normal(k3, (64, 64), dtype=jnp.float32) * (1.0 / np.sqrt(64.0))
    g2 = jnp.ones((64,), dtype=jnp.float32)
    b2 = jnp.zeros((64,), dtype=jnp.float32)
    return {"x": x, "W1": W1, "g1": g1, "b1": b1, "W2": W2, "g2": g2, "b2": b2}


def reference(x, W1, g1, b1, W2, g2, b2):
    f = group(x, K)              # [B, 6, N, K]
    f = conv_bn_lrelu(f, W1, g1, b1)  # [B, 64, N, K]
    f = conv_bn_lrelu(f, W2, g2, b2)  # [B, 64, N, K]
    return jnp.max(f, axis=-1)   # [B, 64, N]

if __name__ == "__main__":
    import jax
    _d = setup_inputs()
    print(jax.jit(kernel)(*tuple(_d.values())))

</pallas_src>

<mosaic_0001>
#map = affine_map<(d0, d1) -> (0, 0)>
#map1 = affine_map<(d0, d1) -> (0, 0, 0)>
module attributes {stable_mosaic.version = 14 : i64} {
  func.func @_sc_gather_body(%arg0: i32, %arg1: i32, %arg2: memref<16384x16xf32, #tpu.memory_space<hbm>>, %arg3: memref<32x80x128xi32, #tpu.memory_space<hbm>>, %arg4: memref<327680x16xf32, #tpu.memory_space<hbm>>, %arg5: memref<80x128xi32, #tpu.memory_space<vmem>>, %arg6: memref<8x128x16xf32, #tpu.memory_space<vmem>>, %arg7: memref<!tpu.dma_semaphore, #tpu.memory_space<semaphore_mem>>, %arg8: memref<!tpu.dma_semaphore, #tpu.memory_space<semaphore_mem>>) attributes {dimension_semantics = [#tpu.dimension_semantics<core_parallel>, #tpu.dimension_semantics<subcore_parallel>], iteration_bounds = array<i64: 2, 16>, scalar_prefetch = 0 : i64, scratch_operands = 4 : i64, tpu.core_type = #tpu.core_type<sc_vector_subcore>, window_params = [{transform_indices = #map}, {transform_indices = #map1}, {transform_indices = #map}]} {
    %mul3A = arith.constant 2 : i32
    %mul3A_0 = arith.muli %arg1, %mul3A : i32
    %add3A = arith.addi %mul3A_0, %arg0 : i32
    "tpu.region"() ({
      %run_scoped3A = tpu.sem_alloc : memref<!tpu.dma_semaphore, #tpu.memory_space<semaphore_mem>>
      %dma_start3A = arith.constant 0 : i32
      %dma_start3A_8 = arith.constant 0 : i32
      %dma_start3A_9 = tpu.memref_slice %arg3[%add3A, %dma_start3A, %dma_start3A_8] : memref<32x80x128xi32, #tpu.memory_space<hbm>> -> memref<1x80x128xi32, #tpu.memory_space<hbm>>
      %dma_start3A_10 = tpu.memref_squeeze %dma_start3A_9 : memref<1x80x128xi32, #tpu.memory_space<hbm>> -> memref<80x128xi32, #tpu.memory_space<hbm>>
      %dma_start3A_11 = arith.constant 0 : i32
      %dma_start3A_12 = arith.constant 0 : i32
      %dma_start3A_13 = tpu.memref_slice %arg3[%add3A, %dma_start3A_11, %dma_start3A_12] : memref<32x80x128xi32, #tpu.memory_space<hbm>> -> memref<1x80x128xi32, #tpu.memory_space<hbm>>
      %dma_start3A_14 = tpu.memref_squeeze %dma_start3A_13 : memref<1x80x128xi32, #tpu.memory_space<hbm>> -> memref<80x128xi32, #tpu.memory_space<hbm>>
      tpu.enqueue_dma source(%dma_start3A_14 : memref<80x128xi32, #tpu.memory_space<hbm>>) target(%arg5 : memref<80x128xi32, #tpu.memory_space<vmem>>) target_semaphore(%run_scoped3A : memref<!tpu.dma_semaphore, #tpu.memory_space<semaphore_mem>>)
      %dma_wait3A = arith.constant 0 : i32
      %dma_wait3A_15 = arith.constant 0 : i32
      %dma_wait3A_16 = tpu.memref_slice %arg3[%add3A, %dma_wait3A, %dma_wait3A_15] : memref<32x80x128xi32, #tpu.memory_space<hbm>> -> memref<1x80x128xi32, #tpu.memory_space<hbm>>
      %dma_wait3A_17 = tpu.memref_squeeze %dma_wait3A_16 : memref<1x80x128xi32, #tpu.memory_space<hbm>> -> memref<80x128xi32, #tpu.memory_space<hbm>>
      %dma_wait3A_18 = arith.constant 0 : i32
      %dma_wait3A_19 = arith.constant 0 : i32
      %dma_wait3A_20 = tpu.memref_slice %arg3[%add3A, %dma_wait3A_18, %dma_wait3A_19] : memref<32x80x128xi32, #tpu.memory_space<hbm>> -> memref<1x80x128xi32, #tpu.memory_space<hbm>>
      %dma_wait3A_21 = tpu.memref_squeeze %dma_wait3A_20 : memref<1x80x128xi32, #tpu.memory_space<hbm>> -> memref<80x128xi32, #tpu.memory_space<hbm>>
      tpu.wait_dma2 semaphore(%run_scoped3A : memref<!tpu.dma_semaphore, #tpu.memory_space<semaphore_mem>>) src(%dma_wait3A_21 : memref<80x128xi32, #tpu.memory_space<hbm>>) dst(%arg5 : memref<80x128xi32, #tpu.memory_space<vmem>>)
      tpu.yield
    }) : () -> ()
    %mul3A_1 = arith.constant 10240 : i32
    %mul3A_2 = arith.muli %add3A, %mul3A_1 : i32
    %scan3A = arith.constant 0 : i32
    %scan3A_3 = arith.constant 0 : i32
    %scan3A_4 = arith.constant 10 : i32
    %scan3A_5 = arith.addi %scan3A_3, %scan3A_4 : i32
    %scan3A_6 = arith.constant 1 : i32
    scf.for %scan3A_8 = %scan3A_3 to %scan3A_5 step %scan3A_6  : i32 {
      %mul3A_9 = arith.constant 8 : i32
      %mul3A_10 = arith.muli %scan3A_8, %mul3A_9 : i32
      %add3A_11 = arith.constant 0 : i32
      %add3A_12 = arith.addi %mul3A_10, %add3A_11 : i32
      %dma_start3A = arith.constant 0 : i32
      %dma_start3A_13 = arith.constant 0 : i32
      %dma_start3A_14 = arith.constant 0 : i32
      %dma_start3A_15 = tpu.memref_slice %arg6[%dma_start3A, %dma_start3A_13, %dma_start3A_14] : memref<8x128x16xf32, #tpu.memory_space<vmem>> -> memref<1x128x16xf32, #tpu.memory_space<vmem>>
      %dma_start3A_16 = tpu.memref_squeeze %dma_start3A_15 : memref<1x128x16xf32, #tpu.memory_space<vmem>> -> memref<128x16xf32, #tpu.memory_space<vmem>>
      %dma_start3A_17 = arith.constant 0 : i32
      %dma_start3A_18 = tpu.memref_slice %arg5[%add3A_12, %dma_start3A_17] : memref<80x128xi32, #tpu.memory_space<vmem>> -> memref<1x128xi32, #tpu.memory_space<vmem>>
      %dma_start3A_19 = tpu.memref_squeeze %dma_start3A_18 : memref<1x128xi32, #tpu.memory_space<vmem>> -> memref<128xi32, #tpu.memory_space<vmem>>
      %dma_start3A_20 = arith.constant 0 : i32
      %dma_start3A_21 = arith.constant 0 : i32
      %dma_start3A_22 = tpu.memref_slice %arg2[%dma_start3A_20, %dma_start3A_21] : memref<16384x16xf32, #tpu.memory_space<hbm>> -> memref<16384x16xf32, #tpu.memory_space<hbm>>
      tpu.enqueue_indirect_dma source(%dma_start3A_22 : memref<16384x16xf32, #tpu.memory_space<hbm>>) target(%dma_start3A_16 : memref<128x16xf32, #tpu.memory_space<vmem>>) offsets(%dma_start3A_19 : memref<128xi32, #tpu.memory_space<vmem>>) semaphore(%arg7 : memref<!tpu.dma_semaphore, #tpu.memory_space<semaphore_mem>>)
      %mul3A_23 = arith.constant 8 : i32
      %mul3A_24 = arith.muli %scan3A_8, %mul3A_23 : i32
      %add3A_25 = arith.constant 1 : i32
      %add3A_26 = arith.addi %mul3A_24, %add3A_25 : i32
      %dma_start3A_27 = arith.constant 1 : i32
      %dma_start3A_28 = arith.constant 0 : i32
      %dma_start3A_29 = arith.constant 0 : i32
      %dma_start3A_30 = tpu.memref_slice %arg6[%dma_start3A_27, %dma_start3A_28, %dma_start3A_29] : memref<8x128x16xf32, #tpu.memory_space<vmem>> -> memref<1x128x16xf32, #tpu.memory_space<vmem>>
      %dma_start3A_31 = tpu.memref_squeeze %dma_start3A_30 : memref<1x128x16xf32, #tpu.memory_space<vmem>> -> memref<128x16xf32, #tpu.memory_space<vmem>>
      %dma_start3A_32 = arith.constant 0 : i32
      %dma_start3A_33 = tpu.memref_slice %arg5[%add3A_26, %dma_start3A_32] : memref<80x128xi32, #tpu.memory_space<vmem>> -> memref<1x128xi32, #tpu.memory_space<vmem>>
      %dma_start3A_34 = tpu.memref_squeeze %dma_start3A_33 : memref<1x128xi32, #tpu.memory_space<vmem>> -> memref<128xi32, #tpu.memory_space<vmem>>
      %dma_start3A_35 = arith.constant 0 : i32
      %dma_start3A_36 = arith.constant 0 : i32
      %dma_start3A_37 = tpu.memref_slice %arg2[%dma_start3A_35, %dma_start3A_36] : memref<16384x16xf32, #tpu.memory_space<hbm>> -> memref<16384x16xf32, #tpu.memory_space<hbm>>
      tpu.enqueue_indirect_dma source(%dma_start3A_37 : memref<16384x16xf32, #tpu.memory_space<hbm>>) target(%dma_start3A_31 : memref<128x16xf32, #tpu.memory_space<vmem>>) offsets(%dma_start3A_34 : memref<128xi32, #tpu.memory_space<vmem>>) semaphore(%arg7 : memref<!tpu.dma_semaphore, #tpu.memory_space<semaphore_mem>>)
      %mul3A_38 = arith.constant 8 : i32
      %mul3A_39 = arith.muli %scan3A_8, %mul3A_38 : i32
      %add3A_40 = arith.constant 2 : i32
      %add3A_41 = arith.addi %mul3A_39, %add3A_40 : i32
      %dma_start3A_42 = arith.constant 2 : i32
      %dma_start3A_43 = arith.constant 0 : i32
      %dma_start3A_44 = arith.constant 0 : i32
      %dma_start3A_45 = tpu.memref_slice %arg6[%dma_start3A_42, %dma_start3A_43, %dma_start3A_44] : memref<8x128x16xf32, #tpu.memory_space<vmem>> -> memref<1x128x16xf32, #tpu.memory_space<vmem>>
      %dma_start3A_46 = tpu.memref_squeeze %dma_start3A_45 : memref<1x128x16xf32, #tpu.memory_space<vmem>> -> memref<128x16xf32, #tpu.memory_space<vmem>>
      %dma_start3A_47 = arith.constant 0 : i32
      %dma_start3A_48 = tpu.memref_slice %arg5[%add3A_41, %dma_start3A_47] : memref<80x128xi32, #tpu.memory_space<vmem>> -> memref<1x128xi32, #tpu.memory_space<vmem>>
      %dma_start3A_49 = tpu.memref_squeeze %dma_start3A_48 : memref<1x128xi32, #tpu.memory_space<vmem>> -> memref<128xi32, #tpu.memory_space<vmem>>
      %dma_start3A_50 = arith.constant 0 : i32
      %dma_start3A_51 = arith.constant 0 : i32
      %dma_start3A_52 = tpu.memref_slice %arg2[%dma_start3A_50, %dma_start3A_51] : memref<16384x16xf32, #tpu.memory_space<hbm>> -> memref<16384x16xf32, #tpu.memory_space<hbm>>
      tpu.enqueue_indirect_dma source(%dma_start3A_52 : memref<16384x16xf32, #tpu.memory_space<hbm>>) target(%dma_start3A_46 : memref<128x16xf32, #tpu.memory_space<vmem>>) offsets(%dma_start3A_49 : memref<128xi32, #tpu.memory_space<vmem>>) semaphore(%arg7 : memref<!tpu.dma_semaphore, #tpu.memory_space<semaphore_mem>>)
      %mul3A_53 = arith.constant 8 : i32
      %mul3A_54 = arith.muli %scan3A_8, %mul3A_53 : i32
      %add3A_55 = arith.constant 3 : i32
      %add3A_56 = arith.addi %mul3A_54, %add3A_55 : i32
      %dma_start3A_57 = arith.constant 3 : i32
      %dma_start3A_58 = arith.constant 0 : i32
      %dma_start3A_59 = arith.constant 0 : i32
      %dma_start3A_60 = tpu.memref_slice %arg6[%dma_start3A_57, %dma_start3A_58, %dma_start3A_59] : memref<8x128x16xf32, #tpu.memory_space<vmem>> -> memref<1x128x16xf32, #tpu.memory_space<vmem>>
      %dma_start3A_61 = tpu.memref_squeeze %dma_start3A_60 : memref<1x128x16xf32, #tpu.memory_space<vmem>> -> memref<128x16xf32, #tpu.memory_space<vmem>>
      %dma_start3A_62 = arith.constant 0 : i32
      %dma_start3A_63 = tpu.memref_slice %arg5[%add3A_56, %dma_start3A_62] : memref<80x128xi32, #tpu.memory_space<vmem>> -> memref<1x128xi32, #tpu.memory_space<vmem>>
      %dma_start3A_64 = tpu.memref_squeeze %dma_start3A_63 : memref<1x128xi32, #tpu.memory_space<vmem>> -> memref<128xi32, #tpu.memory_space<vmem>>
      %dma_start3A_65 = arith.constant 0 : i32
      %dma_start3A_66 = arith.constant 0 : i32
      %dma_start3A_67 = tpu.memref_slice %arg2[%dma_start3A_65, %dma_start3A_66] : memref<16384x16xf32, #tpu.memory_space<hbm>> -> memref<16384x16xf32, #tpu.memory_space<hbm>>
      tpu.enqueue_indirect_dma source(%dma_start3A_67 : memref<16384x16xf32, #tpu.memory_space<hbm>>) target(%dma_start3A_61 : memref<128x16xf32, #tpu.memory_space<vmem>>) offsets(%dma_start3A_64 : memref<128xi32, #tpu.memory_space<vmem>>) semaphore(%arg7 : memref<!tpu.dma_semaphore, #tpu.memory_space<semaphore_mem>>)
      %mul3A_68 = arith.constant 8 : i32
      %mul3A_69 = arith.muli %scan3A_8, %mul3A_68 : i32
      %add3A_70 = arith.constant 4 : i32
      %add3A_71 = arith.addi %mul3A_69, %add3A_70 : i32
      %dma_start3A_72 = arith.constant 4 : i32
      %dma_start3A_73 = arith.constant 0 : i32
      %dma_start3A_74 = arith.constant 0 : i32
      %dma_start3A_75 = tpu.memref_slice %arg6[%dma_start3A_72, %dma_start3A_73, %dma_start3A_74] : memref<8x128x16xf32, #tpu.memory_space<vmem>> -> memref<1x128x16xf32, #tpu.memory_space<vmem>>
      %dma_start3A_76 = tpu.memref_squeeze %dma_start3A_75 : memref<1x128x16xf32, #tpu.memory_space<vmem>> -> memref<128x16xf32, #tpu.memory_space<vmem>>
      %dma_start3A_77 = arith.constant 0 : i32
      %dma_start3A_78 = tpu.memref_slice %arg5[%add3A_71, %dma_start3A_77] : memref<80x128xi32, #tpu.memory_space<vmem>> -> memref<1x128xi32, #tpu.memory_space<vmem>>
      %dma_start3A_79 = tpu.memref_squeeze %dma_start3A_78 : memref<1x128xi32, #tpu.memory_space<vmem>> -> memref<128xi32, #tpu.memory_space<vmem>>
      %dma_start3A_80 = arith.constant 0 : i32
      %dma_start3A_81 = arith.constant 0 : i32
      %dma_start3A_82 = tpu.memref_slice %arg2[%dma_start3A_80, %dma_start3A_81] : memref<16384x16xf32, #tpu.memory_space<hbm>> -> memref<16384x16xf32, #tpu.memory_space<hbm>>
      tpu.enqueue_indirect_dma source(%dma_start3A_82 : memref<16384x16xf32, #tpu.memory_space<hbm>>) target(%dma_start3A_76 : memref<128x16xf32, #tpu.memory_space<vmem>>) offsets(%dma_start3A_79 : memref<128xi32, #tpu.memory_space<vmem>>) semaphore(%arg7 : memref<!tpu.dma_semaphore, #tpu.memory_space<semaphore_mem>>)
      %mul3A_83 = arith.constant 8 : i32
      %mul3A_84 = arith.muli %scan3A_8, %mul3A_83 : i32
      %add3A_85 = arith.constant 5 : i32
      %add3A_86 = arith.addi %mul3A_84, %add3A_85 : i32
      %dma_start3A_87 = arith.constant 5 : i32
      %dma_start3A_88 = arith.constant 0 : i32
      %dma_start3A_89 = arith.constant 0 : i32
      %dma_start3A_90 = tpu.memref_slice %arg6[%dma_start3A_87, %dma_start3A_88, %dma_start3A_89] : memref<8x128x16xf32, #tpu.memory_space<vmem>> -> memref<1x128x16xf32, #tpu.memory_space<vmem>>
      %dma_start3A_91 = tpu.memref_squeeze %dma_start3A_90 : memref<1x128x16xf32, #tpu.memory_space<vmem>> -> memref<128x16xf32, #tpu.memory_space<vmem>>
      %dma_start3A_92 = arith.constant 0 : i32
      %dma_start3A_93 = tpu.memref_slice %arg5[%add3A_86, %dma_start3A_92] : memref<80x128xi32, #tpu.memory_space<vmem>> -> memref<1x128xi32, #tpu.memory_space<vmem>>
      %dma_start3A_94 = tpu.memref_squeeze %dma_start3A_93 : memref<1x128xi32, #tpu.memory_space<vmem>> -> memref<128xi32, #tpu.memory_space<vmem>>
      %dma_start3A_95 = arith.constant 0 : i32
      %dma_start3A_96 = arith.constant 0 : i32
      %dma_start3A_97 = tpu.memref_slice %arg2[%dma_start3A_95, %dma_start3A_96] : memref<16384x16xf32, #tpu.memory_space<hbm>> -> memref<16384x16xf32, #tpu.memory_space<hbm>>
      tpu.enqueue_indirect_dma source(%dma_start3A_97 : memref<16384x16xf32, #tpu.memory_space<hbm>>) target(%dma_start3A_91 : memref<128x16xf32, #tpu.memory_space<vmem>>) offsets(%dma_start3A_94 : memref<128xi32, #tpu.memory_space<vmem>>) semaphore(%arg7 : memref<!tpu.dma_semaphore, #tpu.memory_space<semaphore_mem>>)
      %mul3A_98 = arith.constant 8 : i32
      %mul3A_99 = arith.muli %scan3A_8, %mul3A_98 : i32
      %add3A_100 = arith.constant 6 : i32
      %add3A_101 = arith.addi %mul3A_99, %add3A_100 : i32
      %dma_start3A_102 = arith.constant 6 : i32
      %dma_start3A_103 = arith.constant 0 : i32
      %dma_start3A_104 = arith.constant 0 : i32
      %dma_start3A_105 = tpu.memref_slice %arg6[%dma_start3A_102, %dma_start3A_103, %dma_start3A_104] : memref<8x128x16xf32, #tpu.memory_space<vmem>> -> memref<1x128x16xf32, #tpu.memory_space<vmem>>
      %dma_start3A_106 = tpu.memref_squeeze %dma_start3A_105 : memref<1x128x16xf32, #tpu.memory_space<vmem>> -> memref<128x16xf32, #tpu.memory_space<vmem>>
      %dma_start3A_107 = arith.constant 0 : i32
      %dma_start3A_108 = tpu.memref_slice %arg5[%add3A_101, %dma_start3A_107] : memref<80x128xi32, #tpu.memory_space<vmem>> -> memref<1x128xi32, #tpu.memory_space<vmem>>
      %dma_start3A_109 = tpu.memref_squeeze %dma_start3A_108 : memref<1x128xi32, #tpu.memory_space<vmem>> -> memref<128xi32, #tpu.memory_space<vmem>>
      %dma_start3A_110 = arith.constant 0 : i32
      %dma_start3A_111 = arith.constant 0 : i32
      %dma_start3A_112 = tpu.memref_slice %arg2[%dma_start3A_110, %dma_start3A_111] : memref<16384x16xf32, #tpu.memory_space<hbm>> -> memref<16384x16xf32, #tpu.memory_space<hbm>>
      tpu.enqueue_indirect_dma source(%dma_start3A_112 : memref<16384x16xf32, #tpu.memory_space<hbm>>) target(%dma_start3A_106 : memref<128x16xf32, #tpu.memory_space<vmem>>) offsets(%dma_start3A_109 : memref<128xi32, #tpu.memory_space<vmem>>) semaphore(%arg7 : memref<!tpu.dma_semaphore, #tpu.memory_space<semaphore_mem>>)
      %mul3A_113 = arith.constant 8 : i32
      %mul3A_114 = arith.muli %scan3A_8, %mul3A_113 : i32
      %add3A_115 = arith.constant 7 : i32
      %add3A_116 = arith.addi %mul3A_114, %add3A_115 : i32
      %dma_start3A_117 = arith.constant 7 : i32
      %dma_start3A_118 = arith.constant 0 : i32
      %dma_start3A_119 = arith.constant 0 : i32
      %dma_start3A_120 = tpu.memref_slice %arg6[%dma_start3A_117, %dma_start3A_118, %dma_start3A_119] : memref<8x128x16xf32, #tpu.memory_space<vmem>> -> memref<1x128x16xf32, #tpu.memory_space<vmem>>
      %dma_start3A_121 = tpu.memref_squeeze %dma_start3A_120 : memref<1x128x16xf32, #tpu.memory_space<vmem>> -> memref<128x16xf32, #tpu.memory_space<vmem>>
      %dma_start3A_122 = arith.constant 0 : i32
      %dma_start3A_123 = tpu.memref_slice %arg5[%add3A_116, %dma_start3A_122] : memref<80x128xi32, #tpu.memory_space<vmem>> -> memref<1x128xi32, #tpu.memory_space<vmem>>
      %dma_start3A_124 = tpu.memref_squeeze %dma_start3A_123 : memref<1x128xi32, #tpu.memory_space<vmem>> -> memref<128xi32, #tpu.memory_space<vmem>>
      %dma_start3A_125 = arith.constant 0 : i32
      %dma_start3A_126 = arith.constant 0 : i32
      %dma_start3A_127 = tpu.memref_slice %arg2[%dma_start3A_125, %dma_start3A_126] : memref<16384x16xf32, #tpu.memory_space<hbm>> -> memref<16384x16xf32, #tpu.memory_space<hbm>>
      tpu.enqueue_indirect_dma source(%dma_start3A_127 : memref<16384x16xf32, #tpu.memory_space<hbm>>) target(%dma_start3A_121 : memref<128x16xf32, #tpu.memory_space<vmem>>) offsets(%dma_start3A_124 : memref<128xi32, #tpu.memory_space<vmem>>) semaphore(%arg7 : memref<!tpu.dma_semaphore, #tpu.memory_space<semaphore_mem>>)
      %dma_wait3A = arith.constant 0 : i32
      %dma_wait3A_128 = arith.constant 0 : i32
      %dma_wait3A_129 = arith.constant 0 : i32
      %dma_wait3A_130 = tpu.memref_slice %arg6[%dma_wait3A, %dma_wait3A_128, %dma_wait3A_129] : memref<8x128x16xf32, #tpu.memory_space<vmem>> -> memref<1x128x16xf32, #tpu.memory_space<vmem>>
      %dma_wait3A_131 = tpu.memref_squeeze %dma_wait3A_130 : memref<1x128x16xf32, #tpu.memory_space<vmem>> -> memref<128x16xf32, #tpu.memory_space<vmem>>
      %dma_wait3A_132 = arith.constant 0 : i32
      %dma_wait3A_133 = tpu.memref_slice %arg5[%add3A_12, %dma_wait3A_132] : memref<80x128xi32, #tpu.memory_space<vmem>> -> memref<1x128xi32, #tpu.memory_space<vmem>>
      %dma_wait3A_134 = tpu.memref_squeeze %dma_wait3A_133 : memref<1x128xi32, #tpu.memory_space<vmem>> -> memref<128xi32, #tpu.memory_space<vmem>>
      %dma_wait3A_135 = arith.constant 0 : i32
      %dma_wait3A_136 = arith.constant 0 : i32
      %dma_wait3A_137 = tpu.memref_slice %arg2[%dma_wait3A_135, %dma_wait3A_136] : memref<16384x16xf32, #tpu.memory_space<hbm>> -> memref<16384x16xf32, #tpu.memory_space<hbm>>
      tpu.wait_indirect_dma semaphore(%arg7 : memref<!tpu.dma_semaphore, #tpu.memory_space<semaphore_mem>>) src(%dma_wait3A_137 : memref<16384x16xf32, #tpu.memory_space<hbm>>) dst(%dma_wait3A_131 : memref<128x16xf32, #tpu.memory_space<vmem>>)
      %dma_wait3A_138 = arith.constant 1 : i32
      %dma_wait3A_139 = arith.constant 0 : i32
      %dma_wait3A_140 = arith.constant 0 : i32
      %dma_wait3A_141 = tpu.memref_slice %arg6[%dma_wait3A_138, %dma_wait3A_139, %dma_wait3A_140] : memref<8x128x16xf32, #tpu.memory_space<vmem>> -> memref<1x128x16xf32, #tpu.memory_space<vmem>>
      %dma_wait3A_142 = tpu.memref_squeeze %dma_wait3A_141 : memref<1x128x16xf32, #tpu.memory_space<vmem>> -> memref<128x16xf32, #tpu.memory_space<vmem>>
      %dma_wait3A_143 = arith.constant 0 : i32
      %dma_wait3A_144 = tpu.memref_slice %arg5[%add3A_26, %dma_wait3A_143] : memref<80x128xi32, #tpu.memory_space<vmem>> -> memref<1x128xi32, #tpu.memory_space<vmem>>
      %dma_wait3A_145 = tpu.memref_squeeze %dma_wait3A_144 : memref<1x128xi32, #tpu.memory_space<vmem>> -> memref<128xi32, #tpu.memory_space<vmem>>
      %dma_wait3A_146 = arith.constant 0 : i32
      %dma_wait3A_147 = arith.constant 0 : i32
      %dma_wait3A_148 = tpu.memref_slice %arg2[%dma_wait3A_146, %dma_wait3A_147] : memref<16384x16xf32, #tpu.memory_space<hbm>> -> memref<16384x16xf32, #tpu.memory_space<hbm>>
      tpu.wait_indirect_dma semaphore(%arg7 : memref<!tpu.dma_semaphore, #tpu.memory_space<semaphore_mem>>) src(%dma_wait3A_148 : memref<16384x16xf32, #tpu.memory_space<hbm>>) dst(%dma_wait3A_142 : memref<128x16xf32, #tpu.memory_space<vmem>>)
      %dma_wait3A_149 = arith.constant 2 : i32
      %dma_wait3A_150 = arith.constant 0 : i32
      %dma_wait3A_151 = arith.constant 0 : i32
      %dma_wait3A_152 = tpu.memref_slice %arg6[%dma_wait3A_149, %dma_wait3A_150, %dma_wait3A_151] : memref<8x128x16xf32, #tpu.memory_space<vmem>> -> memref<1x128x16xf32, #tpu.memory_space<vmem>>
      %dma_wait3A_153 = tpu.memref_squeeze %dma_wait3A_152 : memref<1x128x16xf32, #tpu.memory_space<vmem>> -> memref<128x16xf32, #tpu.memory_space<vmem>>
      %dma_wait3A_154 = arith.constant 0 : i32
      %dma_wait3A_155 = tpu.memref_slice %arg5[%add3A_41, %dma_wait3A_154] : memref<80x128xi32, #tpu.memory_space<vmem>> -> memref<1x128xi32, #tpu.memory_space<vmem>>
      %dma_wait3A_156 = tpu.memref_squeeze %dma_wait3A_155 : memref<1x128xi32, #tpu.memory_space<vmem>> -> memref<128xi32, #tpu.memory_space<vmem>>
      %dma_wait3A_157 = arith.constant 0 : i32
      %dma_wait3A_158 = arith.constant 0 : i32
      %dma_wait3A_159 = tpu.memref_slice %arg2[%dma_wait3A_157, %dma_wait3A_158] : memref<16384x16xf32, #tpu.memory_space<hbm>> -> memref<16384x16xf32, #tpu.memory_space<hbm>>
      tpu.wait_indirect_dma semaphore(%arg7 : memref<!tpu.dma_semaphore, #tpu.memory_space<semaphore_mem>>) src(%dma_wait3A_159 : memref<16384x16xf32, #tpu.memory_space<hbm>>) dst(%dma_wait3A_153 : memref<128x16xf32, #tpu.memory_space<vmem>>)
      %dma_wait3A_160 = arith.constant 3 : i32
      %dma_wait3A_161 = arith.constant 0 : i32
      %dma_wait3A_162 = arith.constant 0 : i32
      %dma_wait3A_163 = tpu.memref_slice %arg6[%dma_wait3A_160, %dma_wait3A_161, %dma_wait3A_162] : memref<8x128x16xf32, #tpu.memory_space<vmem>> -> memref<1x128x16xf32, #tpu.memory_space<vmem>>
      %dma_wait3A_164 = tpu.memref_squeeze %dma_wait3A_163 : memref<1x128x16xf32, #tpu.memory_space<vmem>> -> memref<128x16xf32, #tpu.memory_space<vmem>>
      %dma_wait3A_165 = arith.constant 0 : i32
      %dma_wait3A_166 = tpu.memref_slice %arg5[%add3A_56, %dma_wait3A_165] : memref<80x128xi32, #tpu.memory_space<vmem>> -> memref<1x128xi32, #tpu.memory_space<vmem>>
      %dma_wait3A_167 = tpu.memref_squeeze %dma_wait3A_166 : memref<1x128xi32, #tpu.memory_space<vmem>> -> memref<128xi32, #tpu.memory_space<vmem>>
      %dma_wait3A_168 = arith.constant 0 : i32
      %dma_wait3A_169 = arith.constant 0 : i32
      %dma_wait3A_170 = tpu.memref_slice %arg2[%dma_wait3A_168, %dma_wait3A_169] : memref<16384x16xf32, #tpu.memory_space<hbm>> -> memref<16384x16xf32, #tpu.memory_space<hbm>>
      tpu.wait_indirect_dma semaphore(%arg7 : memref<!tpu.dma_semaphore, #tpu.memory_space<semaphore_mem>>) src(%dma_wait3A_170 : memref<16384x16xf32, #tpu.memory_space<hbm>>) dst(%dma_wait3A_164 : memref<128x16xf32, #tpu.memory_space<vmem>>)
      %dma_wait3A_171 = arith.constant 4 : i32
      %dma_wait3A_172 = arith.constant 0 : i32
      %dma_wait3A_173 = arith.constant 0 : i32
      %dma_wait3A_174 = tpu.memref_slice %arg6[%dma_wait3A_171, %dma_wait3A_172, %dma_wait3A_173] : memref<8x128x16xf32, #tpu.memory_space<vmem>> -> memref<1x128x16xf32, #tpu.memory_space<vmem>>
      %dma_wait3A_175 = tpu.memref_squeeze %dma_wait3A_174 : memref<1x128x16xf32, #tpu.memory_space<vmem>> -> memref<128x16xf32, #tpu.memory_space<vmem>>
      %dma_wait3A_176 = arith.constant 0 : i32
      %dma_wait3A_177 = tpu.memref_slice %arg5[%add3A_71, %dma_wait3A_176] : memref<80x128xi32, #tpu.memory_space<vmem>> -> memref<1x128xi32, #tpu.memory_space<vmem>>
      %dma_wait3A_178 = tpu.memref_squeeze %dma_wait3A_177 : memref<1x128xi32, #tpu.memory_space<vmem>> -> memref<128xi32, #tpu.memory_space<vmem>>
      %dma_wait3A_179 = arith.constant 0 : i32
      %dma_wait3A_180 = arith.constant 0 : i32
      %dma_wait3A_181 = tpu.memref_slice %arg2[%dma_wait3A_179, %dma_wait3A_180] : memref<16384x16xf32, #tpu.memory_space<hbm>> -> memref<16384x16xf32, #tpu.memory_space<hbm>>
      tpu.wait_indirect_dma semaphore(%arg7 : memref<!tpu.dma_semaphore, #tpu.memory_space<semaphore_mem>>) src(%dma_wait3A_181 : memref<16384x16xf32, #tpu.memory_space<hbm>>) dst(%dma_wait3A_175 : memref<128x16xf32, #tpu.memory_space<vmem>>)
      %dma_wait3A_182 = arith.constant 5 : i32
      %dma_wait3A_183 = arith.constant 0 : i32
      %dma_wait3A_184 = arith.constant 0 : i32
      %dma_wait3A_185 = tpu.memref_slice %arg6[%dma_wait3A_182, %dma_wait3A_183, %dma_wait3A_184] : memref<8x128x16xf32, #tpu.memory_space<vmem>> -> memref<1x128x16xf32, #tpu.memory_space<vmem>>
      %dma_wait3A_186 = tpu.memref_squeeze %dma_wait3A_185 : memref<1x128x16xf32, #tpu.memory_space<vmem>> -> memref<128x16xf32, #tpu.memory_space<vmem>>
      %dma_wait3A_187 = arith.constant 0 : i32
      %dma_wait3A_188 = tpu.memref_slice %arg5[%add3A_86, %dma_wait3A_187] : memref<80x128xi32, #tpu.memory_space<vmem>> -> memref<1x128xi32, #tpu.memory_space<vmem>>
      %dma_wait3A_189 = tpu.memref_squeeze %dma_wait3A_188 : memref<1x128xi32, #tpu.memory_space<vmem>> -> memref<128xi32, #tpu.memory_space<vmem>>
      %dma_wait3A_190 = arith.constant 0 : i32
      %dma_wait3A_191 = arith.constant 0 : i32
      %dma_wait3A_192 = tpu.memref_slice %arg2[%dma_wait3A_190, %dma_wait3A_191] : memref<16384x16xf32, #tpu.memory_space<hbm>> -> memref<16384x16xf32, #tpu.memory_space<hbm>>
      tpu.wait_indirect_dma semaphore(%arg7 : memref<!tpu.dma_semaphore, #tpu.memory_space<semaphore_mem>>) src(%dma_wait3A_192 : memref<16384x16xf32, #tpu.memory_space<hbm>>) dst(%dma_wait3A_186 : memref<128x16xf32, #tpu.memory_space<vmem>>)
      %dma_wait3A_193 = arith.constant 6 : i32
      %dma_wait3A_194 = arith.constant 0 : i32
      %dma_wait3A_195 = arith.constant 0 : i32
      %dma_wait3A_196 = tpu.memref_slice %arg6[%dma_wait3A_193, %dma_wait3A_194, %dma_wait3A_195] : memref<8x128x16xf32, #tpu.memory_space<vmem>> -> memref<1x128x16xf32, #tpu.memory_space<vmem>>
      %dma_wait3A_197 = tpu.memref_squeeze %dma_wait3A_196 : memref<1x128x16xf32, #tpu.memory_space<vmem>> -> memref<128x16xf32, #tpu.memory_space<vmem>>
      %dma_wait3A_198 = arith.constant 0 : i32
      %dma_wait3A_199 = tpu.memref_slice %arg5[%add3A_101, %dma_wait3A_198] : memref<80x128xi32, #tpu.memory_space<vmem>> -> memref<1x128xi32, #tpu.memory_space<vmem>>
      %dma_wait3A_200 = tpu.memref_squeeze %dma_wait3A_199 : memref<1x128xi32, #tpu.memory_space<vmem>> -> memref<128xi32, #tpu.memory_space<vmem>>
      %dma_wait3A_201 = arith.constant 0 : i32
      %dma_wait3A_202 = arith.constant 0 : i32
      %dma_wait3A_203 = tpu.memref_slice %arg2[%dma_wait3A_201, %dma_wait3A_202] : memref<16384x16xf32, #tpu.memory_space<hbm>> -> memref<16384x16xf32, #tpu.memory_space<hbm>>
      tpu.wait_indirect_dma semaphore(%arg7 : memref<!tpu.dma_semaphore, #tpu.memory_space<semaphore_mem>>) src(%dma_wait3A_203 : memref<16384x16xf32, #tpu.memory_space<hbm>>) dst(%dma_wait3A_197 : memref<128x16xf32, #tpu.memory_space<vmem>>)
      %dma_wait3A_204 = arith.constant 7 : i32
      %dma_wait3A_205 = arith.constant 0 : i32
      %dma_wait3A_206 = arith.constant 0 : i32
      %dma_wait3A_207 = tpu.memref_slice %arg6[%dma_wait3A_204, %dma_wait3A_205, %dma_wait3A_206] : memref<8x128x16xf32, #tpu.memory_space<vmem>> -> memref<1x128x16xf32, #tpu.memory_space<vmem>>
      %dma_wait3A_208 = tpu.memref_squeeze %dma_wait3A_207 : memref<1x128x16xf32, #tpu.memory_space<vmem>> -> memref<128x16xf32, #tpu.memory_space<vmem>>
      %dma_wait3A_209 = arith.constant 0 : i32
      %dma_wait3A_210 = tpu.memref_slice %arg5[%add3A_116, %dma_wait3A_209] : memref<80x128xi32, #tpu.memory_space<vmem>> -> memref<1x128xi32, #tpu.memory_space<vmem>>
      %dma_wait3A_211 = tpu.memref_squeeze %dma_wait3A_210 : memref<1x128xi32, #tpu.memory_space<vmem>> -> memref<128xi32, #tpu.memory_space<vmem>>
      %dma_wait3A_212 = arith.constant 0 : i32
      %dma_wait3A_213 = arith.constant 0 : i32
      %dma_wait3A_214 = tpu.memref_slice %arg2[%dma_wait3A_212, %dma_wait3A_213] : memref<16384x16xf32, #tpu.memory_space<hbm>> -> memref<16384x16xf32, #tpu.memory_space<hbm>>
      tpu.wait_indirect_dma semaphore(%arg7 : memref<!tpu.dma_semaphore, #tpu.memory_space<semaphore_mem>>) src(%dma_wait3A_214 : memref<16384x16xf32, #tpu.memory_space<hbm>>) dst(%dma_wait3A_208 : memref<128x16xf32, #tpu.memory_space<vmem>>)
      %mul3A_215 = arith.constant 8 : i32
      %mul3A_216 = arith.muli %scan3A_8, %mul3A_215 : i32
      %add3A_217 = arith.constant 0 : i32
      %add3A_218 = arith.addi %mul3A_216, %add3A_217 : i32
      %mul3A_219 = arith.constant 128 : i32
      %mul3A_220 = arith.muli %add3A_218, %mul3A_219 : i32
      %add3A_221 = arith.addi %mul3A_2, %mul3A_220 : i32
      %dma_start3A_222 = arith.constant 0 : i32
      %dma_start3A_223 = arith.constant 0 : i32
      %dma_start3A_224 = arith.constant 0 : i32
      %dma_start3A_225 = tpu.memref_slice %arg6[%dma_start3A_222, %dma_start3A_223, %dma_start3A_224] : memref<8x128x16xf32, #tpu.memory_space<vmem>> -> memref<1x128x16xf32, #tpu.memory_space<vmem>>
      %dma_start3A_226 = tpu.memref_squeeze %dma_start3A_225 : memref<1x128x16xf32, #tpu.memory_space<vmem>> -> memref<128x16xf32, #tpu.memory_space<vmem>>
      %dma_start3A_227 = arith.constant 0 : i32
      %dma_start3A_228 = tpu.memref_slice %arg4[%add3A_221, %dma_start3A_227] : memref<327680x16xf32, #tpu.memory_space<hbm>> -> memref<128x16xf32, #tpu.memory_space<hbm>>
      %dma_start3A_229 = arith.constant 0 : i32
      %dma_start3A_230 = tpu.memref_slice %arg4[%add3A_221, %dma_start3A_229] : memref<327680x16xf32, #tpu.memory_space<hbm>> -> memref<128x16xf32, #tpu.memory_space<hbm>>
      %dma_start3A_231 = arith.constant 0 : i32
      %dma_start3A_232 = arith.constant 0 : i32
      %dma_start3A_233 = tpu.memref_slice %arg6[%dma_start3A_222, %dma_start3A_231, %dma_start3A_232] : memref<8x128x16xf32, #tpu.memory_space<vmem>> -> memref<1x128x16xf32, #tpu.memory_space<vmem>>
      %dma_start3A_234 = tpu.memref_squeeze %dma_start3A_233 : memref<1x128x16xf32, #tpu.memory_space<vmem>> -> memref<128x16xf32, #tpu.memory_space<vmem>>
      tpu.enqueue_dma source(%dma_start3A_234 : memref<128x16xf32, #tpu.memory_space<vmem>>) target(%dma_start3A_230 : memref<128x16xf32, #tpu.memory_space<hbm>>) target_semaphore(%arg8 : memref<!tpu.dma_semaphore, #tpu.memory_space<semaphore_mem>>)
      %mul3A_235 = arith.constant 8 : i32
      %mul3A_236 = arith.muli %scan3A_8, %mul3A_235 : i32
      %add3A_237 = arith.constant 1 : i32
      %add3A_238 = arith.addi %mul3A_236, %add3A_237 : i32
      %mul3A_239 = arith.constant 128 : i32
      %mul3A_240 = arith.muli %add3A_238, %mul3A_239 : i32
      %add3A_241 = arith.addi %mul3A_2, %mul3A_240 : i32
      %dma_start3A_242 = arith.constant 1 : i32
      %dma_start3A_243 = arith.constant 0 : i32
      %dma_start3A_244 = arith.constant 0 : i32
      %dma_start3A_245 = tpu.memref_slice %arg6[%dma_start3A_242, %dma_start3A_243, %dma_start3A_244] : memref<8x128x16xf32, #tpu.memory_space<vmem>> -> memref<1x128x16xf32, #tpu.memory_space<vmem>>
      %dma_start3A_246 = tpu.memref_squeeze %dma_start3A_245 : memref<1x128x16xf32, #tpu.memory_space<vmem>> -> memref<128x16xf32, #tpu.memory_space<vmem>>
      %dma_start3A_247 = arith.constant 0 : i32
      %dma_start3A_248 = tpu.memref_slice %arg4[%add3A_241, %dma_start3A_247] : memref<327680x16xf32, #tpu.memory_space<hbm>> -> memref<128x16xf32, #tpu.memory_space<hbm>>
      %dma_start3A_249 = arith.constant 0 : i32
      %dma_start3A_250 = tpu.memref_slice %arg4[%add3A_241, %dma_start3A_249] : memref<327680x16xf32, #tpu.memory_space<hbm>> -> memref<128x16xf32, #tpu.memory_space<hbm>>
      %dma_start3A_251 = arith.constant 0 : i32
      %dma_start3A_252 = arith.constant 0 : i32
      %dma_start3A_253 = tpu.memref_slice %arg6[%dma_start3A_242, %dma_start3A_251, %dma_start3A_252] : memref<8x128x16xf32, #tpu.memory_space<vmem>> -> memref<1x128x16xf32, #tpu.memory_space<vmem>>
      %dma_start3A_254 = tpu.memref_squeeze %dma_start3A_253 : memref<1x128x16xf32, #tpu.memory_space<vmem>> -> memref<128x16xf32, #tpu.memory_space<vmem>>
      tpu.enqueue_dma source(%dma_start3A_254 : memref<128x16xf32, #tpu.memory_space<vmem>>) target(%dma_start3A_250 : memref<128x16xf32, #tpu.memory_space<hbm>>) target_semaphore(%arg8 : memref<!tpu.dma_semaphore, #tpu.memory_space<semaphore_mem>>)
      %mul3A_255 = arith.constant 8 : i32
      %mul3A_256 = arith.muli %scan3A_8, %mul3A_255 : i32
      %add3A_257 = arith.constant 2 : i32
      %add3A_258 = arith.addi %mul3A_256, %add3A_257 : i32
      %mul3A_259 = arith.constant 128 : i32
      %mul3A_260 = arith.muli %add3A_258, %mul3A_259 : i32
      %add3A_261 = arith.addi %mul3A_2, %mul3A_260 : i32
      %dma_start3A_262 = arith.constant 2 : i32
      %dma_start3A_263 = arith.constant 0 : i32
      %dma_start3A_264 = arith.constant 0 : i32
      %dma_start3A_265 = tpu.memref_slice %arg6[%dma_start3A_262, %dma_start3A_263, %dma_start3A_264] : memref<8x128x16xf32, #tpu.memory_space<vmem>> -> memref<1x128x16xf32, #tpu.memory_space<vmem>>
      %dma_start3A_266 = tpu.memref_squeeze %dma_start3A_265 : memref<1x128x16xf32, #tpu.memory_space<vmem>> -> memref<128x16xf32, #tpu.memory_space<vmem>>
      %dma_start3A_267 = arith.constant 0 : i32
      %dma_start3A_268 = tpu.memref_slice %arg4[%add3A_261, %dma_start3A_267] : memref<327680x16xf32, #tpu.memory_space<hbm>> -> memref<128x16xf32, #tpu.memory_space<hbm>>
      %dma_start3A_269 = arith.constant 0 : i32
      %dma_start3A_270 = tpu.memref_slice %arg4[%add3A_261, %dma_start3A_269] : memref<327680x16xf32, #tpu.memory_space<hbm>> -> memref<128x16xf32, #tpu.memory_space<hbm>>
      %dma_start3A_271 = arith.constant 0 : i32
      %dma_start3A_272 = arith.constant 0 : i32
      %dma_start3A_273 = tpu.memref_slice %arg6[%dma_start3A_262, %dma_start3A_271, %dma_start3A_272] : memref<8x128x16xf32, #tpu.memory_space<vmem>> -> memref<1x128x16xf32, #tpu.memory_space<vmem>>
      %dma_start3A_274 = tpu.memref_squeeze %dma_start3A_273 : memref<1x128x16xf32, #tpu.memory_space<vmem>> -> memref<128x16xf32, #tpu.memory_space<vmem>>
      tpu.enqueue_dma source(%dma_start3A_274 : memref<128x16xf32, #tpu.memory_space<vmem>>) target(%dma_start3A_270 : memref<128x16xf32, #tpu.memory_space<hbm>>) target_semaphore(%arg8 : memref<!tpu.dma_semaphore, #tpu.memory_space<semaphore_mem>>)
      %mul3A_275 = arith.constant 8 : i32
      %mul3A_276 = arith.muli %scan3A_8, %mul3A_275 : i32
      %add3A_277 = arith.constant 3 : i32
      %add3A_278 = arith.addi %mul3A_276, %add3A_277 : i32
      %mul3A_279 = arith.constant 128 : i32
      %mul3A_280 = arith.muli %add3A_278, %mul3A_279 : i32
      %add3A_281 = arith.addi %mul3A_2, %mul3A_280 : i32
      %dma_start3A_282 = arith.constant 3 : i32
      %dma_start3A_283 = arith.constant 0 : i32
      %dma_start3A_284 = arith.constant 0 : i32
      %dma_start3A_285 = tpu.memref_slice %arg6[%dma_start3A_282, %dma_start3A_283, %dma_start3A_284] : memref<8x128x16xf32, #tpu.memory_space<vmem>> -> memref<1x128x16xf32, #tpu.memory_space<vmem>>
      %dma_start3A_286 = tpu.memref_squeeze %dma_start3A_285 : memref<1x128x16xf32, #tpu.memory_space<vmem>> -> memref<128x16xf32, #tpu.memory_space<vmem>>
      %dma_start3A_287 = arith.constant 0 : i32
      %dma_start3A_288 = tpu.memref_slice %arg4[%add3A_281, %dma_start3A_287] : memref<327680x16xf32, #tpu.memory_space<hbm>> -> memref<128x16xf32, #tpu.memory_space<hbm>>
      %dma_start3A_289 = arith.constant 0 : i32
      %dma_start3A_290 = tpu.memref_slice %arg4[%add3A_281, %dma_start3A_289] : memref<327680x16xf32, #tpu.memory_space<hbm>> -> memref<128x16xf32, #tpu.memory_space<hbm>>
      %dma_start3A_291 = arith.constant 0 : i32
      %dma_start3A_292 = arith.constant 0 : i32
      %dma_start3A_293 = tpu.memref_slice %arg6[%dma_start3A_282, %dma_start3A_291, %dma_start3A_292] : memref<8x128x16xf32, #tpu.memory_space<vmem>> -> memref<1x128x16xf32, #tpu.memory_space<vmem>>
      %dma_start3A_294 = tpu.memref_squeeze %dma_start3A_293 : memref<1x128x16xf32, #tpu.memory_space<vmem>> -> memref<128x16xf32, #tpu.memory_space<vmem>>
      tpu.enqueue_dma source(%dma_start3A_294 : memref<128x16xf32, #tpu.memory_space<vmem>>) target(%dma_start3A_290 : memref<128x16xf32, #tpu.memory_space<hbm>>) target_semaphore(%arg8 : memref<!tpu.dma_semaphore, #tpu.memory_space<semaphore_mem>>)
      %mul3A_295 = arith.constant 8 : i32
      %mul3A_296 = arith.muli %scan3A_8, %mul3A_295 : i32
      %add3A_297 = arith.constant 4 : i32
      %add3A_298 = arith.addi %mul3A_296, %add3A_297 : i32
      %mul3A_299 = arith.constant 128 : i32
      %mul3A_300 = arith.muli %add3A_298, %mul3A_299 : i32
      %add3A_301 = arith.addi %mul3A_2, %mul3A_300 : i32
      %dma_start3A_302 = arith.constant 4 : i32
      %dma_start3A_303 = arith.constant 0 : i32
      %dma_start3A_304 = arith.constant 0 : i32
      %dma_start3A_305 = tpu.memref_slice %arg6[%dma_start3A_302, %dma_start3A_303, %dma_start3A_304] : memref<8x128x16xf32, #tpu.memory_space<vmem>> -> memref<1x128x16xf32, #tpu.memory_space<vmem>>
      %dma_start3A_306 = tpu.memref_squeeze %dma_start3A_305 : memref<1x128x16xf32, #tpu.memory_space<vmem>> -> memref<128x16xf32, #tpu.memory_space<vmem>>
      %dma_start3A_307 = arith.constant 0 : i32
      %dma_start3A_308 = tpu.memref_slice %arg4[%add3A_301, %dma_start3A_307] : memref<327680x16xf32, #tpu.memory_space<hbm>> -> memref<128x16xf32, #tpu.memory_space<hbm>>
      %dma_start3A_309 = arith.constant 0 : i32
      %dma_start3A_310 = tpu.memref_slice %arg4[%add3A_301, %dma_start3A_309] : memref<327680x16xf32, #tpu.memory_space<hbm>> -> memref<128x16xf32, #tpu.memory_space<hbm>>
      %dma_start3A_311 = arith.constant 0 : i32
      %dma_start3A_312 = arith.constant 0 : i32
      %dma_start3A_313 = tpu.memref_slice %arg6[%dma_start3A_302, %dma_start3A_311, %dma_start3A_312] : memref<8x128x16xf32, #tpu.memory_space<vmem>> -> memref<1x128x16xf32, #tpu.memory_space<vmem>>
      %dma_start3A_314 = tpu.memref_squeeze %dma_start3A_313 : memref<1x128x16xf32, #tpu.memory_space<vmem>> -> memref<128x16xf32, #tpu.memory_space<vmem>>
      tpu.enqueue_dma source(%dma_start3A_314 : memref<128x16xf32, #tpu.memory_space<vmem>>) target(%dma_start3A_310 : memref<128x16xf32, #tpu.memory_space<hbm>>) target_semaphore(%arg8 : memref<!tpu.dma_semaphore, #tpu.memory_space<semaphore_mem>>)
      %mul3A_315 = arith.constant 8 : i32
      %mul3A_316 = arith.muli %scan3A_8, %mul3A_315 : i32
      %add3A_317 = arith.constant 5 : i32
      %add3A_318 = arith.addi %mul3A_316, %add3A_317 : i32
      %mul3A_319 = arith.constant 128 : i32
      %mul3A_320 = arith.muli %add3A_318, %mul3A_319 : i32
      %add3A_321 = arith.addi %mul3A_2, %mul3A_320 : i32
      %dma_start3A_322 = arith.constant 5 : i32
      %dma_start3A_323 = arith.constant 0 : i32
      %dma_start3A_324 = arith.constant 0 : i32
      %dma_start3A_325 = tpu.memref_slice %arg6[%dma_start3A_322, %dma_start3A_323, %dma_start3A_324] : memref<8x128x16xf32, #tpu.memory_space<vmem>> -> memref<1x128x16xf32, #tpu.memory_space<vmem>>
      %dma_start3A_326 = tpu.memref_squeeze %dma_start3A_325 : memref<1x128x16xf32, #tpu.memory_space<vmem>> -> memref<128x16xf32, #tpu.memory_space<vmem>>
      %dma_start3A_327 = arith.constant 0 : i32
      %dma_start3A_328 = tpu.memref_slice %arg4[%add3A_321, %dma_start3A_327] : memref<327680x16xf32, #tpu.memory_space<hbm>> -> memref<128x16xf32, #tpu.memory_space<hbm>>
      %dma_start3A_329 = arith.constant 0 : i32
      %dma_start3A_330 = tpu.memref_slice %arg4[%add3A_321, %dma_start3A_329] : memref<327680x16xf32, #tpu.memory_space<hbm>> -> memref<128x16xf32, #tpu.memory_space<hbm>>
      %dma_start3A_331 = arith.constant 0 : i32
      %dma_start3A_332 = arith.constant 0 : i32
      %dma_start3A_333 = tpu.memref_slice %arg6[%dma_start3A_322, %dma_start3A_331, %dma_start3A_332] : memref<8x128x16xf32, #tpu.memory_space<vmem>> -> memref<1x128x16xf32, #tpu.memory_space<vmem>>
      %dma_start3A_334 = tpu.memref_squeeze %dma_start3A_333 : memref<1x128x16xf32, #tpu.memory_space<vmem>> -> memref<128x16xf32, #tpu.memory_space<vmem>>
      tpu.enqueue_dma source(%dma_start3A_334 : memref<128x16xf32, #tpu.memory_space<vmem>>) target(%dma_start3A_330 : memref<128x16xf32, #tpu.memory_space<hbm>>) target_semaphore(%arg8 : memref<!tpu.dma_semaphore, #tpu.memory_space<semaphore_mem>>)
      %mul3A_335 = arith.constant 8 : i32
      %mul3A_336 = arith.muli %scan3A_8, %mul3A_335 : i32
      %add3A_337 = arith.constant 6 : i32
      %add3A_338 = arith.addi %mul3A_336, %add3A_337 : i32
      %mul3A_339 = arith.constant 128 : i32
      %mul3A_340 = arith.muli %add3A_338, %mul3A_339 : i32
      %add3A_341 = arith.addi %mul3A_2, %mul3A_340 : i32
      %dma_start3A_342 = arith.constant 6 : i32
      %dma_start3A_343 = arith.constant 0 : i32
      %dma_start3A_344 = arith.constant 0 : i32
      %dma_start3A_345 = tpu.memref_slice %arg6[%dma_start3A_342, %dma_start3A_343, %dma_start3A_344] : memref<8x128x16xf32, #tpu.memory_space<vmem>> -> memref<1x128x16xf32, #tpu.memory_space<vmem>>
      %dma_start3A_346 = tpu.memref_squeeze %dma_start3A_345 : memref<1x128x16xf32, #tpu.memory_space<vmem>> -> memref<128x16xf32, #tpu.memory_space<vmem>>
      %dma_start3A_347 = arith.constant 0 : i32
      %dma_start3A_348 = tpu.memref_slice %arg4[%add3A_341, %dma_start3A_347] : memref<327680x16xf32, #tpu.memory_space<hbm>> -> memref<128x16xf32, #tpu.memory_space<hbm>>
      %dma_start3A_349 = arith.constant 0 : i32
      %dma_start3A_350 = tpu.memref_slice %arg4[%add3A_341, %dma_start3A_349] : memref<327680x16xf32, #tpu.memory_space<hbm>> -> memref<128x16xf32, #tpu.memory_space<hbm>>
      %dma_start3A_351 = arith.constant 0 : i32
      %dma_start3A_352 = arith.constant 0 : i32
      %dma_start3A_353 = tpu.memref_slice %arg6[%dma_start3A_342, %dma_start3A_351, %dma_start3A_352] : memref<8x128x16xf32, #tpu.memory_space<vmem>> -> memref<1x128x16xf32, #tpu.memory_space<vmem>>
      %dma_start3A_354 = tpu.memref_squeeze %dma_start3A_353 : memref<1x128x16xf32, #tpu.memory_space<vmem>> -> memref<128x16xf32, #tpu.memory_space<vmem>>
      tpu.enqueue_dma source(%dma_start3A_354 : memref<128x16xf32, #tpu.memory_space<vmem>>) target(%dma_start3A_350 : memref<128x16xf32, #tpu.memory_space<hbm>>) target_semaphore(%arg8 : memref<!tpu.dma_semaphore, #tpu.memory_space<semaphore_mem>>)
      %mul3A_355 = arith.constant 8 : i32
      %mul3A_356 = arith.muli %scan3A_8, %mul3A_355 : i32
      %add3A_357 = arith.constant 7 : i32
      %add3A_358 = arith.addi %mul3A_356, %add3A_357 : i32
      %mul3A_359 = arith.constant 128 : i32
      %mul3A_360 = arith.muli %add3A_358, %mul3A_359 : i32
      %add3A_361 = arith.addi %mul3A_2, %mul3A_360 : i32
      %dma_start3A_362 = arith.constant 7 : i32
      %dma_start3A_363 = arith.constant 0 : i32
      %dma_start3A_364 = arith.constant 0 : i32
      %dma_start3A_365 = tpu.memref_slice %arg6[%dma_start3A_362, %dma_start3A_363, %dma_start3A_364] : memref<8x128x16xf32, #tpu.memory_space<vmem>> -> memref<1x128x16xf32, #tpu.memory_space<vmem>>
      %dma_start3A_366 = tpu.memref_squeeze %dma_start3A_365 : memref<1x128x16xf32, #tpu.memory_space<vmem>> -> memref<128x16xf32, #tpu.memory_space<vmem>>
      %dma_start3A_367 = arith.constant 0 : i32
      %dma_start3A_368 = tpu.memref_slice %arg4[%add3A_361, %dma_start3A_367] : memref<327680x16xf32, #tpu.memory_space<hbm>> -> memref<128x16xf32, #tpu.memory_space<hbm>>
      %dma_start3A_369 = arith.constant 0 : i32
      %dma_start3A_370 = tpu.memref_slice %arg4[%add3A_361, %dma_start3A_369] : memref<327680x16xf32, #tpu.memory_space<hbm>> -> memref<128x16xf32, #tpu.memory_space<hbm>>
      %dma_start3A_371 = arith.constant 0 : i32
      %dma_start3A_372 = arith.constant 0 : i32
      %dma_start3A_373 = tpu.memref_slice %arg6[%dma_start3A_362, %dma_start3A_371, %dma_start3A_372] : memref<8x128x16xf32, #tpu.memory_space<vmem>> -> memref<1x128x16xf32, #tpu.memory_space<vmem>>
      %dma_start3A_374 = tpu.memref_squeeze %dma_start3A_373 : memref<1x128x16xf32, #tpu.memory_space<vmem>> -> memref<128x16xf32, #tpu.memory_space<vmem>>
      tpu.enqueue_dma source(%dma_start3A_374 : memref<128x16xf32, #tpu.memory_space<vmem>>) target(%dma_start3A_370 : memref<128x16xf32, #tpu.memory_space<hbm>>) target_semaphore(%arg8 : memref<!tpu.dma_semaphore, #tpu.memory_space<semaphore_mem>>)
      %dma_wait3A_375 = arith.constant 0 : i32
      %dma_wait3A_376 = arith.constant 0 : i32
      %dma_wait3A_377 = arith.constant 0 : i32
      %dma_wait3A_378 = tpu.memref_slice %arg6[%dma_wait3A_375, %dma_wait3A_376, %dma_wait3A_377] : memref<8x128x16xf32, #tpu.memory_space<vmem>> -> memref<1x128x16xf32, #tpu.memory_space<vmem>>
      %dma_wait3A_379 = tpu.memref_squeeze %dma_wait3A_378 : memref<1x128x16xf32, #tpu.memory_space<vmem>> -> memref<128x16xf32, #tpu.memory_space<vmem>>
      %dma_wait3A_380 = arith.constant 0 : i32
      %dma_wait3A_381 = tpu.memref_slice %arg4[%add3A_221, %dma_wait3A_380] : memref<327680x16xf32, #tpu.memory_space<hbm>> -> memref<128x16xf32, #tpu.memory_space<hbm>>
      %dma_wait3A_382 = arith.constant 0 : i32
      %dma_wait3A_383 = tpu.memref_slice %arg4[%add3A_221, %dma_wait3A_382] : memref<327680x16xf32, #tpu.memory_space<hbm>> -> memref<128x16xf32, #tpu.memory_space<hbm>>
      %dma_wait3A_384 = arith.constant 0 : i32
      %dma_wait3A_385 = arith.constant 0 : i32
      %dma_wait3A_386 = tpu.memref_slice %arg6[%dma_wait3A_375, %dma_wait3A_384, %dma_wait3A_385] : memref<8x128x16xf32, #tpu.memory_space<vmem>> -> memref<1x128x16xf32, #tpu.memory_space<vmem>>
      %dma_wait3A_387 = tpu.memref_squeeze %dma_wait3A_386 : memref<1x128x16xf32, #tpu.memory_space<vmem>> -> memref<128x16xf32, #tpu.memory_space<vmem>>
      tpu.wait_dma2 semaphore(%arg8 : memref<!tpu.dma_semaphore, #tpu.memory_space<semaphore_mem>>) src(%dma_wait3A_387 : memref<128x16xf32, #tpu.memory_space<vmem>>) dst(%dma_wait3A_383 : memref<128x16xf32, #tpu.memory_space<hbm>>)
      %dma_wait3A_388 = arith.constant 1 : i32
      %dma_wait3A_389 = arith.constant 0 : i32
      %dma_wait3A_390 = arith.constant 0 : i32
      %dma_wait3A_391 = tpu.memref_slice %arg6[%dma_wait3A_388, %dma_wait3A_389, %dma_wait3A_390] : memref<8x128x16xf32, #tpu.memory_space<vmem>> -> memref<1x128x16xf32, #tpu.memory_space<vmem>>
      %dma_wait3A_392 = tpu.memref_squeeze %dma_wait3A_391 : memref<1x128x16xf32, #tpu.memory_space<vmem>> -> memref<128x16xf32, #tpu.memory_space<vmem>>
      %dma_wait3A_393 = arith.constant 0 : i32
      %dma_wait3A_394 = tpu.memref_slice %arg4[%add3A_241, %dma_wait3A_393] : memref<327680x16xf32, #tpu.memory_space<hbm>> -> memref<128x16xf32, #tpu.memory_space<hbm>>
      %dma_wait3A_395 = arith.constant 0 : i32
      %dma_wait3A_396 = tpu.memref_slice %arg4[%add3A_241, %dma_wait3A_395] : memref<327680x16xf32, #tpu.memory_space<hbm>> -> memref<128x16xf32, #tpu.memory_space<hbm>>
      %dma_wait3A_397 = arith.constant 0 : i32
      %dma_wait3A_398 = arith.constant 0 : i32
      %dma_wait3A_399 = tpu.memref_slice %arg6[%dma_wait3A_388, %dma_wait3A_397, %dma_wait3A_398] : memref<8x128x16xf32, #tpu.memory_space<vmem>> -> memref<1x128x16xf32, #tpu.memory_space<vmem>>
      %dma_wait3A_400 = tpu.memref_squeeze %dma_wait3A_399 : memref<1x128x16xf32, #tpu.memory_space<vmem>> -> memref<128x16xf32, #tpu.memory_space<vmem>>
      tpu.wait_dma2 semaphore(%arg8 : memref<!tpu.dma_semaphore, #tpu.memory_space<semaphore_mem>>) src(%dma_wait3A_400 : memref<128x16xf32, #tpu.memory_space<vmem>>) dst(%dma_wait3A_396 : memref<128x16xf32, #tpu.memory_space<hbm>>)
      %dma_wait3A_401 = arith.constant 2 : i32
      %dma_wait3A_402 = arith.constant 0 : i32
      %dma_wait3A_403 = arith.constant 0 : i32
      %dma_wait3A_404 = tpu.memref_slice %arg6[%dma_wait3A_401, %dma_wait3A_402, %dma_wait3A_403] : memref<8x128x16xf32, #tpu.memory_space<vmem>> -> memref<1x128x16xf32, #tpu.memory_space<vmem>>
      %dma_wait3A_405 = tpu.memref_squeeze %dma_wait3A_404 : memref<1x128x16xf32, #tpu.memory_space<vmem>> -> memref<128x16xf32, #tpu.memory_space<vmem>>
      %dma_wait3A_406 = arith.constant 0 : i32
      %dma_wait3A_407 = tpu.memref_slice %arg4[%add3A_261, %dma_wait3A_406] : memref<327680x16xf32, #tpu.memory_space<hbm>> -> memref<128x16xf32, #tpu.memory_space<hbm>>
      %dma_wait3A_408 = arith.constant 0 : i32
      %dma_wait3A_409 = tpu.memref_slice %arg4[%add3A_261, %dma_wait3A_408] : memref<327680x16xf32, #tpu.memory_space<hbm>> -> memref<128x16xf32, #tpu.memory_space<hbm>>
      %dma_wait3A_410 = arith.constant 0 : i32
      %dma_wait3A_411 = arith.constant 0 : i32
      %dma_wait3A_412 = tpu.memref_slice %arg6[%dma_wait3A_401, %dma_wait3A_410, %dma_wait3A_411] : memref<8x128x16xf32, #tpu.memory_space<vmem>> -> memref<1x128x16xf32, #tpu.memory_space<vmem>>
      %dma_wait3A_413 = tpu.memref_squeeze %dma_wait3A_412 : memref<1x128x16xf32, #tpu.memory_space<vmem>> -> memref<128x16xf32, #tpu.memory_space<vmem>>
      tpu.wait_dma2 semaphore(%arg8 : memref<!tpu.dma_semaphore, #tpu.memory_space<semaphore_mem>>) src(%dma_wait3A_413 : memref<128x16xf32, #tpu.memory_space<vmem>>) dst(%dma_wait3A_409 : memref<128x16xf32, #tpu.memory_space<hbm>>)
      %dma_wait3A_414 = arith.constant 3 : i32
      %dma_wait3A_415 = arith.constant 0 : i32
      %dma_wait3A_416 = arith.constant 0 : i32
      %dma_wait3A_417 = tpu.memref_slice %arg6[%dma_wait3A_414, %dma_wait3A_415, %dma_wait3A_416] : memref<8x128x16xf32, #tpu.memory_space<vmem>> -> memref<1x128x16xf32, #tpu.memory_space<vmem>>
      %dma_wait3A_418 = tpu.memref_squeeze %dma_wait3A_417 : memref<1x128x16xf32, #tpu.memory_space<vmem>> -> memref<128x16xf32, #tpu.memory_space<vmem>>
      %dma_wait3A_419 = arith.constant 0 : i32
      %dma_wait3A_420 = tpu.memref_slice %arg4[%add3A_281, %dma_wait3A_419] : memref<327680x16xf32, #tpu.memory_space<hbm>> -> memref<128x16xf32, #tpu.memory_space<hbm>>
      %dma_wait3A_421 = arith.constant 0 : i32
      %dma_wait3A_422 = tpu.memref_slice %arg4[%add3A_281, %dma_wait3A_421] : memref<327680x16xf32, #tpu.memory_space<hbm>> -> memref<128x16xf32, #tpu.memory_space<hbm>>
      %dma_wait3A_423 = arith.constant 0 : i32
      %dma_wait3A_424 = arith.constant 0 : i32
      %dma_wait3A_425 = tpu.memref_slice %arg6[%dma_wait3A_414, %dma_wait3A_423, %dma_wait3A_424] : memref<8x128x16xf32, #tpu.memory_space<vmem>> -> memref<1x128x16xf32, #tpu.memory_space<vmem>>
      %dma_wait3A_426 = tpu.memref_squeeze %dma_wait3A_425 : memref<1x128x16xf32, #tpu.memory_space<vmem>> -> memref<128x16xf32, #tpu.memory_space<vmem>>
      tpu.wait_dma2 semaphore(%arg8 : memref<!tpu.dma_semaphore, #tpu.memory_space<semaphore_mem>>) src(%dma_wait3A_426 : memref<128x16xf32, #tpu.memory_space<vmem>>) dst(%dma_wait3A_422 : memref<128x16xf32, #tpu.memory_space<hbm>>)
      %dma_wait3A_427 = arith.constant 4 : i32
      %dma_wait3A_428 = arith.constant 0 : i32
      %dma_wait3A_429 = arith.constant 0 : i32
      %dma_wait3A_430 = tpu.memref_slice %arg6[%dma_wait3A_427, %dma_wait3A_428, %dma_wait3A_429] : memref<8x128x16xf32, #tpu.memory_space<vmem>> -> memref<1x128x16xf32, #tpu.memory_space<vmem>>
      %dma_wait3A_431 = tpu.memref_squeeze %dma_wait3A_430 : memref<1x128x16xf32, #tpu.memory_space<vmem>> -> memref<128x16xf32, #tpu.memory_space<vmem>>
      %dma_wait3A_432 = arith.constant 0 : i32
      %dma_wait3A_433 = tpu.memref_slice %arg4[%add3A_301, %dma_wait3A_432] : memref<327680x16xf32, #tpu.memory_space<hbm>> -> memref<128x16xf32, #tpu.memory_space<hbm>>
      %dma_wait3A_434 = arith.constant 0 : i32
      %dma_wait3A_435 = tpu.memref_slice %arg4[%add3A_301, %dma_wait3A_434] : memref<327680x16xf32, #tpu.memory_space<hbm>> -> memref<128x16xf32, #tpu.memory_space<hbm>>
      %dma_wait3A_436 = arith.constant 0 : i32
      %dma_wait3A_437 = arith.constant 0 : i32
      %dma_wait3A_438 = tpu.memref_slice %arg6[%dma_wait3A_427, %dma_wait3A_436, %dma_wait3A_437] : memref<8x128x16xf32, #tpu.memory_space<vmem>> -> memref<1x128x16xf32, #tpu.memory_space<vmem>>
      %dma_wait3A_439 = tpu.memref_squeeze %dma_wait3A_438 : memref<1x128x16xf32, #tpu.memory_space<vmem>> -> memref<128x16xf32, #tpu.memory_space<vmem>>
      tpu.wait_dma2 semaphore(%arg8 : memref<!tpu.dma_semaphore, #tpu.memory_space<semaphore_mem>>) src(%dma_wait3A_439 : memref<128x16xf32, #tpu.memory_space<vmem>>) dst(%dma_wait3A_435 : memref<128x16xf32, #tpu.memory_space<hbm>>)
      %dma_wait3A_440 = arith.constant 5 : i32
      %dma_wait3A_441 = arith.constant 0 : i32
      %dma_wait3A_442 = arith.constant 0 : i32
      %dma_wait3A_443 = tpu.memref_slice %arg6[%dma_wait3A_440, %dma_wait3A_441, %dma_wait3A_442] : memref<8x128x16xf32, #tpu.memory_space<vmem>> -> memref<1x128x16xf32, #tpu.memory_space<vmem>>
      %dma_wait3A_444 = tpu.memref_squeeze %dma_wait3A_443 : memref<1x128x16xf32, #tpu.memory_space<vmem>> -> memref<128x16xf32, #tpu.memory_space<vmem>>
      %dma_wait3A_445 = arith.constant 0 : i32
      %dma_wait3A_446 = tpu.memref_slice %arg4[%add3A_321, %dma_wait3A_445] : memref<327680x16xf32, #tpu.memory_space<hbm>> -> memref<128x16xf32, #tpu.memory_space<hbm>>
      %dma_wait3A_447 = arith.constant 0 : i32
      %dma_wait3A_448 = tpu.memref_slice %arg4[%add3A_321, %dma_wait3A_447] : memref<327680x16xf32, #tpu.memory_space<hbm>> -> memref<128x16xf32, #tpu.memory_space<hbm>>
      %dma_wait3A_449 = arith.constant 0 : i32
      %dma_wait3A_450 = arith.constant 0 : i32
      %dma_wait3A_451 = tpu.memref_slice %arg6[%dma_wait3A_440, %dma_wait3A_449, %dma_wait3A_450] : memref<8x128x16xf32, #tpu.memory_space<vmem>> -> memref<1x128x16xf32, #tpu.memory_space<vmem>>
      %dma_wait3A_452 = tpu.memref_squeeze %dma_wait3A_451 : memref<1x128x16xf32, #tpu.memory_space<vmem>> -> memref<128x16xf32, #tpu.memory_space<vmem>>
      tpu.wait_dma2 semaphore(%arg8 : memref<!tpu.dma_semaphore, #tpu.memory_space<semaphore_mem>>) src(%dma_wait3A_452 : memref<128x16xf32, #tpu.memory_space<vmem>>) dst(%dma_wait3A_448 : memref<128x16xf32, #tpu.memory_space<hbm>>)
      %dma_wait3A_453 = arith.constant 6 : i32
      %dma_wait3A_454 = arith.constant 0 : i32
      %dma_wait3A_455 = arith.constant 0 : i32
      %dma_wait3A_456 = tpu.memref_slice %arg6[%dma_wait3A_453, %dma_wait3A_454, %dma_wait3A_455] : memref<8x128x16xf32, #tpu.memory_space<vmem>> -> memref<1x128x16xf32, #tpu.memory_space<vmem>>
      %dma_wait3A_457 = tpu.memref_squeeze %dma_wait3A_456 : memref<1x128x16xf32, #tpu.memory_space<vmem>> -> memref<128x16xf32, #tpu.memory_space<vmem>>
      %dma_wait3A_458 = arith.constant 0 : i32
      %dma_wait3A_459 = tpu.memref_slice %arg4[%add3A_341, %dma_wait3A_458] : memref<327680x16xf32, #tpu.memory_space<hbm>> -> memref<128x16xf32, #tpu.memory_space<hbm>>
      %dma_wait3A_460 = arith.constant 0 : i32
      %dma_wait3A_461 = tpu.memref_slice %arg4[%add3A_341, %dma_wait3A_460] : memref<327680x16xf32, #tpu.memory_space<hbm>> -> memref<128x16xf32, #tpu.memory_space<hbm>>
      %dma_wait3A_462 = arith.constant 0 : i32
      %dma_wait3A_463 = arith.constant 0 : i32
      %dma_wait3A_464 = tpu.memref_slice %arg6[%dma_wait3A_453, %dma_wait3A_462, %dma_wait3A_463] : memref<8x128x16xf32, #tpu.memory_space<vmem>> -> memref<1x128x16xf32, #tpu.memory_space<vmem>>
      %dma_wait3A_465 = tpu.memref_squeeze %dma_wait3A_464 : memref<1x128x16xf32, #tpu.memory_space<vmem>> -> memref<128x16xf32, #tpu.memory_space<vmem>>
      tpu.wait_dma2 semaphore(%arg8 : memref<!tpu.dma_semaphore, #tpu.memory_space<semaphore_mem>>) src(%dma_wait3A_465 : memref<128x16xf32, #tpu.memory_space<vmem>>) dst(%dma_wait3A_461 : memref<128x16xf32, #tpu.memory_space<hbm>>)
      %dma_wait3A_466 = arith.constant 7 : i32
      %dma_wait3A_467 = arith.constant 0 : i32
      %dma_wait3A_468 = arith.constant 0 : i32
      %dma_wait3A_469 = tpu.memref_slice %arg6[%dma_wait3A_466, %dma_wait3A_467, %dma_wait3A_468] : memref<8x128x16xf32, #tpu.memory_space<vmem>> -> memref<1x128x16xf32, #tpu.memory_space<vmem>>
      %dma_wait3A_470 = tpu.memref_squeeze %dma_wait3A_469 : memref<1x128x16xf32, #tpu.memory_space<vmem>> -> memref<128x16xf32, #tpu.memory_space<vmem>>
      %dma_wait3A_471 = arith.constant 0 : i32
      %dma_wait3A_472 = tpu.memref_slice %arg4[%add3A_361, %dma_wait3A_471] : memref<327680x16xf32, #tpu.memory_space<hbm>> -> memref<128x16xf32, #tpu.memory_space<hbm>>
      %dma_wait3A_473 = arith.constant 0 : i32
      %dma_wait3A_474 = tpu.memref_slice %arg4[%add3A_361, %dma_wait3A_473] : memref<327680x16xf32, #tpu.memory_space<hbm>> -> memref<128x16xf32, #tpu.memory_space<hbm>>
      %dma_wait3A_475 = arith.constant 0 : i32
      %dma_wait3A_476 = arith.constant 0 : i32
      %dma_wait3A_477 = tpu.memref_slice %arg6[%dma_wait3A_466, %dma_wait3A_475, %dma_wait3A_476] : memref<8x128x16xf32, #tpu.memory_space<vmem>> -> memref<1x128x16xf32, #tpu.memory_space<vmem>>
      %dma_wait3A_478 = tpu.memref_squeeze %dma_wait3A_477 : memref<1x128x16xf32, #tpu.memory_space<vmem>> -> memref<128x16xf32, #tpu.memory_space<vmem>>
      tpu.wait_dma2 semaphore(%arg8 : memref<!tpu.dma_semaphore, #tpu.memory_space<semaphore_mem>>) src(%dma_wait3A_478 : memref<128x16xf32, #tpu.memory_space<vmem>>) dst(%dma_wait3A_474 : memref<128x16xf32, #tpu.memory_space<hbm>>)
    }
    %scan3A_7 = arith.constant 10 : i32
    return
  }
}

module attributes {stable_mosaic.version = 14 : i64} {
  func.func @_topk_body(%arg0: i32, %arg1: i32, %arg2: memref<1x3x2048xf32, #tpu.memory_space<vmem>>, %arg3: memref<1x2048x3xf32, #tpu.memory_space<vmem>>, %arg4: memref<1x256x20xi32, #tpu.memory_space<vmem>>) attributes {dimension_semantics = [#tpu.dimension_semantics<arbitrary>, #tpu.dimension_semantics<arbitrary>], iteration_bounds = array<i64: 8, 8>, scalar_prefetch = 0 : i64, scratch_operands = 0 : i64, tpu.core_type = #tpu.core_type<tc>, window_params = [{transform_indices = @transform_0, window_bounds = array<i64: 1, 3, 2048>}, {transform_indices = @transform_1, window_bounds = array<i64: 1, 2048, 3>}, {transform_indices = @transform_2, window_bounds = array<i64: 1, 256, 20>}]} {
    %get3A = arith.constant 0 : index
    %get3A_0 = arith.constant 0 : index
    %get3A_1 = arith.constant 0 : index
    %get3A_2 = vector.load %arg2[%get3A, %get3A_0, %get3A_1] : memref<1x3x2048xf32, #tpu.memory_space<vmem>>, vector<1x3x2048xf32>
    %get3A_3 = vector.shape_cast %get3A_2 : vector<1x3x2048xf32> to vector<3x2048xf32>
    %mul3A = arith.mulf %get3A_3, %get3A_3 : vector<3x2048xf32>
    %reduce_sum3A = arith.constant dense<0.000000e+00> : vector<2048xf32>
    %reduce_sum3A_4 = vector.multi_reduction <add>, %mul3A, %reduce_sum3A [0] : vector<3x2048xf32> to vector<2048xf32>
    %mul3A_5 = arith.constant 256 : i32
    %mul3A_6 = arith.muli %arg1, %mul3A_5 : i32
    %get3A_7 = arith.constant 0 : index
    %get3A_8 = arith.index_cast %mul3A_6 : i32 to index
    %get3A_9 = arith.constant 0 : index
    %get3A_10 = vector.load %arg3[%get3A_7, %get3A_8, %get3A_9] : memref<1x2048x3xf32, #tpu.memory_space<vmem>>, vector<1x256x3xf32>
    %get3A_11 = vector.shape_cast %get3A_10 : vector<1x256x3xf32> to vector<256x3xf32>
    %dot_general3A = arith.constant dense<0.000000e+00> : vector<256x2048xf32>
    %dot_general3A_12 = tpu.matmul %get3A_11, %get3A_3, %dot_general3A {dimension_numbers = #tpu.dot_dimension_numbers<[1], [0], [0], [1], [0, 0, 1, 1], [], []>, transpose_lhs_hint = false} : vector<256x3xf32>, vector<3x2048xf32>, vector<256x2048xf32> -> vector<256x2048xf32>
    %mul3A_13 = arith.mulf %get3A_11, %get3A_11 : vector<256x3xf32>
    %reduce_sum3A_14 = arith.constant dense<0.000000e+00> : vector<256xf32>
    %reduce_sum3A_15 = vector.multi_reduction <add>, %mul3A_13, %reduce_sum3A_14 [1] : vector<256x3xf32> to vector<256xf32>
    %broadcast_in_dim3A = vector.shape_cast %reduce_sum3A_15 : vector<256xf32> to vector<256x1xf32>
    %mul3A_16 = arith.constant 2.000000e+00 : f32
    %mul3A_17 = vector.broadcast %mul3A_16 : f32 to vector<256x2048xf32>
    %mul3A_18 = arith.mulf %mul3A_17, %dot_general3A_12 : vector<256x2048xf32>
    %sub3A = vector.broadcast %broadcast_in_dim3A : vector<256x1xf32> to vector<256x2048xf32>
    %sub3A_19 = arith.subf %sub3A, %mul3A_18 : vector<256x2048xf32>
    %broadcast_in_dim3A_20 = vector.shape_cast %reduce_sum3A_4 : vector<2048xf32> to vector<1x2048xf32>
    %add3A = vector.broadcast %broadcast_in_dim3A_20 : vector<1x2048xf32> to vector<256x2048xf32>
    %add3A_21 = arith.addf %sub3A_19, %add3A : vector<256x2048xf32>
    %neg3A = arith.constant 0.000000e+00 : f32
    %neg3A_22 = vector.broadcast %neg3A : f32 to vector<256x2048xf32>
    %neg3A_23 = arith.subf %neg3A_22, %add3A_21 : vector<256x2048xf32>
    %iota3A = tpu.iota {dimensions = array<i32: 1>} : vector<256x2048xi32>
    %reduce_max3A = arith.constant dense<0xFF800000> : vector<256xf32>
    %reduce_max3A_24 = vector.multi_reduction <maximumf>, %neg3A_23, %reduce_max3A [1] : vector<256x2048xf32> to vector<256xf32>
    %broadcast_in_dim3A_25 = vector.shape_cast %reduce_max3A_24 : vector<256xf32> to vector<256x1xf32>
    %eq3A = vector.broadcast %broadcast_in_dim3A_25 : vector<256x1xf32> to vector<256x2048xf32>
    %eq3A_26 = arith.cmpf oeq, %neg3A_23, %eq3A : vector<256x2048xf32>
    %jit3A = arith.constant 2048 : i32
    %broadcast_in_dim3A_27 = vector.broadcast %jit3A : i32 to vector<256x2048xi32>
    %select_n3A = arith.select %eq3A_26, %iota3A, %broadcast_in_dim3A_27 : vector<256x2048xi1>, vector<256x2048xi32>
    %reduce_min3A = arith.constant dense<2147483647> : vector<256xi32>
    %reduce_min3A_28 = vector.multi_reduction <minsi>, %select_n3A, %reduce_min3A [1] : vector<256x2048xi32> to vector<256xi32>
    %broadcast_in_dim3A_29 = vector.shape_cast %reduce_min3A_28 : vector<256xi32> to vector<256x1xi32>
    %ge3A = vector.broadcast %broadcast_in_dim3A_25 : vector<256x1xf32> to vector<256x2048xf32>
    %ge3A_30 = arith.cmpf oge, %neg3A_23, %ge3A : vector<256x2048xf32>
    %jit3A_31 = arith.constant -3.000000e+38 : f32
    %broadcast_in_dim3A_32 = vector.broadcast %jit3A_31 : f32 to vector<256x2048xf32>
    %select_n3A_33 = arith.select %ge3A_30, %broadcast_in_dim3A_32, %neg3A_23 : vector<256x2048xi1>, vector<256x2048xf32>
    %reduce_max3A_34 = arith.constant dense<0xFF800000> : vector<256xf32>
    %reduce_max3A_35 = vector.multi_reduction <maximumf>, %select_n3A_33, %reduce_max3A_34 [1] : vector<256x2048xf32> to vector<256xf32>
    %broadcast_in_dim3A_36 = vector.shape_cast %reduce_max3A_35 : vector<256xf32> to vector<256x1xf32>
    %eq3A_37 = vector.broadcast %broadcast_in_dim3A_36 : vector<256x1xf32> to vector<256x2048xf32>
    %eq3A_38 = arith.cmpf oeq, %neg3A_23, %eq3A_37 : vector<256x2048xf32>
    %jit3A_39 = arith.constant 2048 : i32
    %broadcast_in_dim3A_40 = vector.broadcast %jit3A_39 : i32 to vector<256x2048xi32>
    %select_n3A_41 = arith.select %eq3A_38, %iota3A, %broadcast_in_dim3A_40 : vector<256x2048xi1>, vector<256x2048xi32>
    %reduce_min3A_42 = arith.constant dense<2147483647> : vector<256xi32>
    %reduce_min3A_43 = vector.multi_reduction <minsi>, %select_n3A_41, %reduce_min3A_42 [1] : vector<256x2048xi32> to vector<256xi32>
    %broadcast_in_dim3A_44 = vector.shape_cast %reduce_min3A_43 : vector<256xi32> to vector<256x1xi32>
    %ge3A_45 = vector.broadcast %broadcast_in_dim3A_36 : vector<256x1xf32> to vector<256x2048xf32>
    %ge3A_46 = arith.cmpf oge, %neg3A_23, %ge3A_45 : vector<256x2048xf32>
    %jit3A_47 = arith.constant -3.000000e+38 : f32
    %broadcast_in_dim3A_48 = vector.broadcast %jit3A_47 : f32 to vector<256x2048xf32>
    %select_n3A_49 = arith.select %ge3A_46, %broadcast_in_dim3A_48, %neg3A_23 : vector<256x2048xi1>, vector<256x2048xf32>
    %reduce_max3A_50 = arith.constant dense<0xFF800000> : vector<256xf32>
    %reduce_max3A_51 = vector.multi_reduction <maximumf>, %select_n3A_49, %reduce_max3A_50 [1] : vector<256x2048xf32> to vector<256xf32>
    %broadcast_in_dim3A_52 = vector.shape_cast %reduce_max3A_51 : vector<256xf32> to vector<256x1xf32>
    %eq3A_53 = vector.broadcast %broadcast_in_dim3A_52 : vector<256x1xf32> to vector<256x2048xf32>
    %eq3A_54 = arith.cmpf oeq, %neg3A_23, %eq3A_53 : vector<256x2048xf32>
    %jit3A_55 = arith.constant 2048 : i32
    %broadcast_in_dim3A_56 = vector.broadcast %jit3A_55 : i32 to vector<256x2048xi32>
    %select_n3A_57 = arith.select %eq3A_54, %iota3A, %broadcast_in_dim3A_56 : vector<256x2048xi1>, vector<256x2048xi32>
    %reduce_min3A_58 = arith.constant dense<2147483647> : vector<256xi32>
    %reduce_min3A_59 = vector.multi_reduction <minsi>, %select_n3A_57, %reduce_min3A_58 [1] : vector<256x2048xi32> to vector<256xi32>
    %broadcast_in_dim3A_60 = vector.shape_cast %reduce_min3A_59 : vector<256xi32> to vector<256x1xi32>
    %ge3A_61 = vector.broadcast %broadcast_in_dim3A_52 : vector<256x1xf32> to vector<256x2048xf32>
    %ge3A_62 = arith.cmpf oge, %neg3A_23, %ge3A_61 : vector<256x2048xf32>
    %jit3A_63 = arith.constant -3.000000e+38 : f32
    %broadcast_in_dim3A_64 = vector.broadcast %jit3A_63 : f32 to vector<256x2048xf32>
    %select_n3A_65 = arith.select %ge3A_62, %broadcast_in_dim3A_64, %neg3A_23 : vector<256x2048xi1>, vector<256x2048xf32>
    %reduce_max3A_66 = arith.constant dense<0xFF800000> : vector<256xf32>
    %reduce_max3A_67 = vector.multi_reduction <maximumf>, %select_n3A_65, %reduce_max3A_66 [1] : vector<256x2048xf32> to vector<256xf32>
    %broadcast_in_dim3A_68 = vector.shape_cast %reduce_max3A_67 : vector<256xf32> to vector<256x1xf32>
    %eq3A_69 = vector.broadcast %broadcast_in_dim3A_68 : vector<256x1xf32> to vector<256x2048xf32>
    %eq3A_70 = arith.cmpf oeq, %neg3A_23, %eq3A_69 : vector<256x2048xf32>
    %jit3A_71 = arith.constant 2048 : i32
    %broadcast_in_dim3A_72 = vector.broadcast %jit3A_71 : i32 to vector<256x2048xi32>
    %select_n3A_73 = arith.select %eq3A_70, %iota3A, %broadcast_in_dim3A_72 : vector<256x2048xi1>, vector<256x2048xi32>
    %reduce_min3A_74 = arith.constant dense<2147483647> : vector<256xi32>
    %reduce_min3A_75 = vector.multi_reduction <minsi>, %select_n3A_73, %reduce_min3A_74 [1] : vector<256x2048xi32> to vector<256xi32>
    %broadcast_in_dim3A_76 = vector.shape_cast %reduce_min3A_75 : vector<256xi32> to vector<256x1xi32>
    %ge3A_77 = vector.broadcast %broadcast_in_dim3A_68 : vector<256x1xf32> to vector<256x2048xf32>
    %ge3A_78 = arith.cmpf oge, %neg3A_23, %ge3A_77 : vector<256x2048xf32>
    %jit3A_79 = arith.constant -3.000000e+38 : f32
    %broadcast_in_dim3A_80 = vector.broadcast %jit3A_79 : f32 to vector<256x2048xf32>
    %select_n3A_81 = arith.select %ge3A_78, %broadcast_in_dim3A_80, %neg3A_23 : vector<256x2048xi1>, vector<256x2048xf32>
    %reduce_max3A_82 = arith.constant dense<0xFF800000> : vector<256xf32>
    %reduce_max3A_83 = vector.multi_reduction <maximumf>, %select_n3A_81, %reduce_max3A_82 [1] : vector<256x2048xf32> to vector<256xf32>
    %broadcast_in_dim3A_84 = vector.shape_cast %reduce_max3A_83 : vector<256xf32> to vector<256x1xf32>
    %eq3A_85 = vector.broadcast %broadcast_in_dim3A_84 : vector<256x1xf32> to vector<256x2048xf32>
    %eq3A_86 = arith.cmpf oeq, %neg3A_23, %eq3A_85 : vector<256x2048xf32>
    %jit3A_87 = arith.constant 2048 : i32
    %broadcast_in_dim3A_88 = vector.broadcast %jit3A_87 : i32 to vector<256x2048xi32>
    %select_n3A_89 = arith.select %eq3A_86, %iota3A, %broadcast_in_dim3A_88 : vector<256x2048xi1>, vector<256x2048xi32>
    %reduce_min3A_90 = arith.constant dense<2147483647> : vector<256xi32>
    %reduce_min3A_91 = vector.multi_reduction <minsi>, %select_n3A_89, %reduce_min3A_90 [1] : vector<256x2048xi32> to vector<256xi32>
    %broadcast_in_dim3A_92 = vector.shape_cast %reduce_min3A_91 : vector<256xi32> to vector<256x1xi32>
    %ge3A_93 = vector.broadcast %broadcast_in_dim3A_84 : vector<256x1xf32> to vector<256x2048xf32>
    %ge3A_94 = arith.cmpf oge, %neg3A_23, %ge3A_93 : vector<256x2048xf32>
    %jit3A_95 = arith.constant -3.000000e+38 : f32
    %broadcast_in_dim3A_96 = vector.broadcast %jit3A_95 : f32 to vector<256x2048xf32>
    %select_n3A_97 = arith.select %ge3A_94, %broadcast_in_dim3A_96, %neg3A_23 : vector<256x2048xi1>, vector<256x2048xf32>
    %reduce_max3A_98 = arith.constant dense<0xFF800000> : vector<256xf32>
    %reduce_max3A_99 = vector.multi_reduction <maximumf>, %select_n3A_97, %reduce_max3A_98 [1] : vector<256x2048xf32> to vector<256xf32>
    %broadcast_in_dim3A_100 = vector.shape_cast %reduce_max3A_99 : vector<256xf32> to vector<256x1xf32>
    %eq3A_101 = vector.broadcast %broadcast_in_dim3A_100 : vector<256x1xf32> to vector<256x2048xf32>
    %eq3A_102 = arith.cmpf oeq, %neg3A_23, %eq3A_101 : vector<256x2048xf32>
    %jit3A_103 = arith.constant 2048 : i32
    %broadcast_in_dim3A_104 = vector.broadcast %jit3A_103 : i32 to vector<256x2048xi32>
    %select_n3A_105 = arith.select %eq3A_102, %iota3A, %broadcast_in_dim3A_104 : vector<256x2048xi1>, vector<256x2048xi32>
    %reduce_min3A_106 = arith.constant dense<2147483647> : vector<256xi32>
    %reduce_min3A_107 = vector.multi_reduction <minsi>, %select_n3A_105, %reduce_min3A_106 [1] : vector<256x2048xi32> to vector<256xi32>
    %broadcast_in_dim3A_108 = vector.shape_cast %reduce_min3A_107 : vector<256xi32> to vector<256x1xi32>
    %ge3A_109 = vector.broadcast %broadcast_in_dim3A_100 : vector<256x1xf32> to vector<256x2048xf32>
    %ge3A_110 = arith.cmpf oge, %neg3A_23, %ge3A_109 : vector<256x2048xf32>
    %jit3A_111 = arith.constant -3.000000e+38 : f32
    %broadcast_in_dim3A_112 = vector.broadcast %jit3A_111 : f32 to vector<256x2048xf32>
    %select_n3A_113 = arith.select %ge3A_110, %broadcast_in_dim3A_112, %neg3A_23 : vector<256x2048xi1>, vector<256x2048xf32>
    %reduce_max3A_114 = arith.constant dense<0xFF800000> : vector<256xf32>
    %reduce_max3A_115 = vector.multi_reduction <maximumf>, %select_n3A_113, %reduce_max3A_114 [1] : vector<256x2048xf32> to vector<256xf32>
    %broadcast_in_dim3A_116 = vector.shape_cast %reduce_max3A_115 : vector<256xf32> to vector<256x1xf32>
    %eq3A_117 = vector.broadcast %broadcast_in_dim3A_116 : vector<256x1xf32> to vector<256x2048xf32>
    %eq3A_118 = arith.cmpf oeq, %neg3A_23, %eq3A_117 : vector<256x2048xf32>
    %jit3A_119 = arith.constant 2048 : i32
    %broadcast_in_dim3A_120 = vector.broadcast %jit3A_119 : i32 to vector<256x2048xi32>
    %select_n3A_121 = arith.select %eq3A_118, %iota3A, %broadcast_in_dim3A_120 : vector<256x2048xi1>, vector<256x2048xi32>
    %reduce_min3A_122 = arith.constant dense<2147483647> : vector<256xi32>
    %reduce_min3A_123 = vector.multi_reduction <minsi>, %select_n3A_121, %reduce_min3A_122 [1] : vector<256x2048xi32> to vector<256xi32>
    %broadcast_in_dim3A_124 = vector.shape_cast %reduce_min3A_123 : vector<256xi32> to vector<256x1xi32>
    %ge3A_125 = vector.broadcast %broadcast_in_dim3A_116 : vector<256x1xf32> to vector<256x2048xf32>
    %ge3A_126 = arith.cmpf oge, %neg3A_23, %ge3A_125 : vector<256x2048xf32>
    %jit3A_127 = arith.constant -3.000000e+38 : f32
    %broadcast_in_dim3A_128 = vector.broadcast %jit3A_127 : f32 to vector<256x2048xf32>
    %select_n3A_129 = arith.select %ge3A_126, %broadcast_in_dim3A_128, %neg3A_23 : vector<256x2048xi1>, vector<256x2048xf32>
    %reduce_max3A_130 = arith.constant dense<0xFF800000> : vector<256xf32>
    %reduce_max3A_131 = vector.multi_reduction <maximumf>, %select_n3A_129, %reduce_max3A_130 [1] : vector<256x2048xf32> to vector<256xf32>
    %broadcast_in_dim3A_132 = vector.shape_cast %reduce_max3A_131 : vector<256xf32> to vector<256x1xf32>
    %eq3A_133 = vector.broadcast %broadcast_in_dim3A_132 : vector<256x1xf32> to vector<256x2048xf32>
    %eq3A_134 = arith.cmpf oeq, %neg3A_23, %eq3A_133 : vector<256x2048xf32>
    %jit3A_135 = arith.constant 2048 : i32
    %broadcast_in_dim3A_136 = vector.broadcast %jit3A_135 : i32 to vector<256x2048xi32>
    %select_n3A_137 = arith.select %eq3A_134, %iota3A, %broadcast_in_dim3A_136 : vector<256x2048xi1>, vector<256x2048xi32>
    %reduce_min3A_138 = arith.constant dense<2147483647> : vector<256xi32>
    %reduce_min3A_139 = vector.multi_reduction <minsi>, %select_n3A_137, %reduce_min3A_138 [1] : vector<256x2048xi32> to vector<256xi32>
    %broadcast_in_dim3A_140 = vector.shape_cast %reduce_min3A_139 : vector<256xi32> to vector<256x1xi32>
    %ge3A_141 = vector.broadcast %broadcast_in_dim3A_132 : vector<256x1xf32> to vector<256x2048xf32>
    %ge3A_142 = arith.cmpf oge, %neg3A_23, %ge3A_141 : vector<256x2048xf32>
    %jit3A_143 = arith.constant -3.000000e+38 : f32
    %broadcast_in_dim3A_144 = vector.broadcast %jit3A_143 : f32 to vector<256x2048xf32>
    %select_n3A_145 = arith.select %ge3A_142, %broadcast_in_dim3A_144, %neg3A_23 : vector<256x2048xi1>, vector<256x2048xf32>
    %reduce_max3A_146 = arith.constant dense<0xFF800000> : vector<256xf32>
    %reduce_max3A_147 = vector.multi_reduction <maximumf>, %select_n3A_145, %reduce_max3A_146 [1] : vector<256x2048xf32> to vector<256xf32>
    %broadcast_in_dim3A_148 = vector.shape_cast %reduce_max3A_147 : vector<256xf32> to vector<256x1xf32>
    %eq3A_149 = vector.broadcast %broadcast_in_dim3A_148 : vector<256x1xf32> to vector<256x2048xf32>
    %eq3A_150 = arith.cmpf oeq, %neg3A_23, %eq3A_149 : vector<256x2048xf32>
    %jit3A_151 = arith.constant 2048 : i32
    %broadcast_in_dim3A_152 = vector.broadcast %jit3A_151 : i32 to vector<256x2048xi32>
    %select_n3A_153 = arith.select %eq3A_150, %iota3A, %broadcast_in_dim3A_152 : vector<256x2048xi1>, vector<256x2048xi32>
    %reduce_min3A_154 = arith.constant dense<2147483647> : vector<256xi32>
    %reduce_min3A_155 = vector.multi_reduction <minsi>, %select_n3A_153, %reduce_min3A_154 [1] : vector<256x2048xi32> to vector<256xi32>
    %broadcast_in_dim3A_156 = vector.shape_cast %reduce_min3A_155 : vector<256xi32> to vector<256x1xi32>
    %ge3A_157 = vector.broadcast %broadcast_in_dim3A_148 : vector<256x1xf32> to vector<256x2048xf32>
    %ge3A_158 = arith.cmpf oge, %neg3A_23, %ge3A_157 : vector<256x2048xf32>
    %jit3A_159 = arith.constant -3.000000e+38 : f32
    %broadcast_in_dim3A_160 = vector.broadcast %jit3A_159 : f32 to vector<256x2048xf32>
    %select_n3A_161 = arith.select %ge3A_158, %broadcast_in_dim3A_160, %neg3A_23 : vector<256x2048xi1>, vector<256x2048xf32>
    %reduce_max3A_162 = arith.constant dense<0xFF800000> : vector<256xf32>
    %reduce_max3A_163 = vector.multi_reduction <maximumf>, %select_n3A_161, %reduce_max3A_162 [1] : vector<256x2048xf32> to vector<256xf32>
    %broadcast_in_dim3A_164 = vector.shape_cast %reduce_max3A_163 : vector<256xf32> to vector<256x1xf32>
    %eq3A_165 = vector.broadcast %broadcast_in_dim3A_164 : vector<256x1xf32> to vector<256x2048xf32>
    %eq3A_166 = arith.cmpf oeq, %neg3A_23, %eq3A_165 : vector<256x2048xf32>
    %jit3A_167 = arith.constant 2048 : i32
    %broadcast_in_dim3A_168 = vector.broadcast %jit3A_167 : i32 to vector<256x2048xi32>
    %select_n3A_169 = arith.select %eq3A_166, %iota3A, %broadcast_in_dim3A_168 : vector<256x2048xi1>, vector<256x2048xi32>
    %reduce_min3A_170 = arith.constant dense<2147483647> : vector<256xi32>
    %reduce_min3A_171 = vector.multi_reduction <minsi>, %select_n3A_169, %reduce_min3A_170 [1] : vector<256x2048xi32> to vector<256xi32>
    %broadcast_in_dim3A_172 = vector.shape_cast %reduce_min3A_171 : vector<256xi32> to vector<256x1xi32>
    %ge3A_173 = vector.broadcast %broadcast_in_dim3A_164 : vector<256x1xf32> to vector<256x2048xf32>
    %ge3A_174 = arith.cmpf oge, %neg3A_23, %ge3A_173 : vector<256x2048xf32>
    %jit3A_175 = arith.constant -3.000000e+38 : f32
    %broadcast_in_dim3A_176 = vector.broadcast %jit3A_175 : f32 to vector<256x2048xf32>
    %select_n3A_177 = arith.select %ge3A_174, %broadcast_in_dim3A_176, %neg3A_23 : vector<256x2048xi1>, vector<256x2048xf32>
    %reduce_max3A_178 = arith.constant dense<0xFF800000> : vector<256xf32>
    %reduce_max3A_179 = vector.multi_reduction <maximumf>, %select_n3A_177, %reduce_max3A_178 [1] : vector<256x2048xf32> to vector<256xf32>
    %broadcast_in_dim3A_180 = vector.shape_cast %reduce_max3A_179 : vector<256xf32> to vector<256x1xf32>
    %eq3A_181 = vector.broadcast %broadcast_in_dim3A_180 : vector<256x1xf32> to vector<256x2048xf32>
    %eq3A_182 = arith.cmpf oeq, %neg3A_23, %eq3A_181 : vector<256x2048xf32>
    %jit3A_183 = arith.constant 2048 : i32
    %broadcast_in_dim3A_184 = vector.broadcast %jit3A_183 : i32 to vector<256x2048xi32>
    %select_n3A_185 = arith.select %eq3A_182, %iota3A, %broadcast_in_dim3A_184 : vector<256x2048xi1>, vector<256x2048xi32>
    %reduce_min3A_186 = arith.constant dense<2147483647> : vector<256xi32>
    %reduce_min3A_187 = vector.multi_reduction <minsi>, %select_n3A_185, %reduce_min3A_186 [1] : vector<256x2048xi32> to vector<256xi32>
    %broadcast_in_dim3A_188 = vector.shape_cast %reduce_min3A_187 : vector<256xi32> to vector<256x1xi32>
    %ge3A_189 = vector.broadcast %broadcast_in_dim3A_180 : vector<256x1xf32> to vector<256x2048xf32>
    %ge3A_190 = arith.cmpf oge, %neg3A_23, %ge3A_189 : vector<256x2048xf32>
    %jit3A_191 = arith.constant -3.000000e+38 : f32
    %broadcast_in_dim3A_192 = vector.broadcast %jit3A_191 : f32 to vector<256x2048xf32>
    %select_n3A_193 = arith.select %ge3A_190, %broadcast_in_dim3A_192, %neg3A_23 : vector<256x2048xi1>, vector<256x2048xf32>
    %reduce_max3A_194 = arith.constant dense<0xFF800000> : vector<256xf32>
    %reduce_max3A_195 = vector.multi_reduction <maximumf>, %select_n3A_193, %reduce_max3A_194 [1] : vector<256x2048xf32> to vector<256xf32>
    %broadcast_in_dim3A_196 = vector.shape_cast %reduce_max3A_195 : vector<256xf32> to vector<256x1xf32>
    %eq3A_197 = vector.broadcast %broadcast_in_dim3A_196 : vector<256x1xf32> to vector<256x2048xf32>
    %eq3A_198 = arith.cmpf oeq, %neg3A_23, %eq3A_197 : vector<256x2048xf32>
    %jit3A_199 = arith.constant 2048 : i32
    %broadcast_in_dim3A_200 = vector.broadcast %jit3A_199 : i32 to vector<256x2048xi32>
    %select_n3A_201 = arith.select %eq3A_198, %iota3A, %broadcast_in_dim3A_200 : vector<256x2048xi1>, vector<256x2048xi32>
    %reduce_min3A_202 = arith.constant dense<2147483647> : vector<256xi32>
    %reduce_min3A_203 = vector.multi_reduction <minsi>, %select_n3A_201, %reduce_min3A_202 [1] : vector<256x2048xi32> to vector<256xi32>
    %broadcast_in_dim3A_204 = vector.shape_cast %reduce_min3A_203 : vector<256xi32> to vector<256x1xi32>
    %ge3A_205 = vector.broadcast %broadcast_in_dim3A_196 : vector<256x1xf32> to vector<256x2048xf32>
    %ge3A_206 = arith.cmpf oge, %neg3A_23, %ge3A_205 : vector<256x2048xf32>
    %jit3A_207 = arith.constant -3.000000e+38 : f32
    %broadcast_in_dim3A_208 = vector.broadcast %jit3A_207 : f32 to vector<256x2048xf32>
    %select_n3A_209 = arith.select %ge3A_206, %broadcast_in_dim3A_208, %neg3A_23 : vector<256x2048xi1>, vector<256x2048xf32>
    %reduce_max3A_210 = arith.constant dense<0xFF800000> : vector<256xf32>
    %reduce_max3A_211 = vector.multi_reduction <maximumf>, %select_n3A_209, %reduce_max3A_210 [1] : vector<256x2048xf32> to vector<256xf32>
    %broadcast_in_dim3A_212 = vector.shape_cast %reduce_max3A_211 : vector<256xf32> to vector<256x1xf32>
    %eq3A_213 = vector.broadcast %broadcast_in_dim3A_212 : vector<256x1xf32> to vector<256x2048xf32>
    %eq3A_214 = arith.cmpf oeq, %neg3A_23, %eq3A_213 : vector<256x2048xf32>
    %jit3A_215 = arith.constant 2048 : i32
    %broadcast_in_dim3A_216 = vector.broadcast %jit3A_215 : i32 to vector<256x2048xi32>
    %select_n3A_217 = arith.select %eq3A_214, %iota3A, %broadcast_in_dim3A_216 : vector<256x2048xi1>, vector<256x2048xi32>
    %reduce_min3A_218 = arith.constant dense<2147483647> : vector<256xi32>
    %reduce_min3A_219 = vector.multi_reduction <minsi>, %select_n3A_217, %reduce_min3A_218 [1] : vector<256x2048xi32> to vector<256xi32>
    %broadcast_in_dim3A_220 = vector.shape_cast %reduce_min3A_219 : vector<256xi32> to vector<256x1xi32>
    %ge3A_221 = vector.broadcast %broadcast_in_dim3A_212 : vector<256x1xf32> to vector<256x2048xf32>
    %ge3A_222 = arith.cmpf oge, %neg3A_23, %ge3A_221 : vector<256x2048xf32>
    %jit3A_223 = arith.constant -3.000000e+38 : f32
    %broadcast_in_dim3A_224 = vector.broadcast %jit3A_223 : f32 to vector<256x2048xf32>
    %select_n3A_225 = arith.select %ge3A_222, %broadcast_in_dim3A_224, %neg3A_23 : vector<256x2048xi1>, vector<256x2048xf32>
    %reduce_max3A_226 = arith.constant dense<0xFF800000> : vector<256xf32>
    %reduce_max3A_227 = vector.multi_reduction <maximumf>, %select_n3A_225, %reduce_max3A_226 [1] : vector<256x2048xf32> to vector<256xf32>
    %broadcast_in_dim3A_228 = vector.shape_cast %reduce_max3A_227 : vector<256xf32> to vector<256x1xf32>
    %eq3A_229 = vector.broadcast %broadcast_in_dim3A_228 : vector<256x1xf32> to vector<256x2048xf32>
    %eq3A_230 = arith.cmpf oeq, %neg3A_23, %eq3A_229 : vector<256x2048xf32>
    %jit3A_231 = arith.constant 2048 : i32
    %broadcast_in_dim3A_232 = vector.broadcast %jit3A_231 : i32 to vector<256x2048xi32>
    %select_n3A_233 = arith.select %eq3A_230, %iota3A, %broadcast_in_dim3A_232 : vector<256x2048xi1>, vector<256x2048xi32>
    %reduce_min3A_234 = arith.constant dense<2147483647> : vector<256xi32>
    %reduce_min3A_235 = vector.multi_reduction <minsi>, %select_n3A_233, %reduce_min3A_234 [1] : vector<256x2048xi32> to vector<256xi32>
    %broadcast_in_dim3A_236 = vector.shape_cast %reduce_min3A_235 : vector<256xi32> to vector<256x1xi32>
    %ge3A_237 = vector.broadcast %broadcast_in_dim3A_228 : vector<256x1xf32> to vector<256x2048xf32>
    %ge3A_238 = arith.cmpf oge, %neg3A_23, %ge3A_237 : vector<256x2048xf32>
    %jit3A_239 = arith.constant -3.000000e+38 : f32
    %broadcast_in_dim3A_240 = vector.broadcast %jit3A_239 : f32 to vector<256x2048xf32>
    %select_n3A_241 = arith.select %ge3A_238, %broadcast_in_dim3A_240, %neg3A_23 : vector<256x2048xi1>, vector<256x2048xf32>
    %reduce_max3A_242 = arith.constant dense<0xFF800000> : vector<256xf32>
    %reduce_max3A_243 = vector.multi_reduction <maximumf>, %select_n3A_241, %reduce_max3A_242 [1] : vector<256x2048xf32> to vector<256xf32>
    %broadcast_in_dim3A_244 = vector.shape_cast %reduce_max3A_243 : vector<256xf32> to vector<256x1xf32>
    %eq3A_245 = vector.broadcast %broadcast_in_dim3A_244 : vector<256x1xf32> to vector<256x2048xf32>
    %eq3A_246 = arith.cmpf oeq, %neg3A_23, %eq3A_245 : vector<256x2048xf32>
    %jit3A_247 = arith.constant 2048 : i32
    %broadcast_in_dim3A_248 = vector.broadcast %jit3A_247 : i32 to vector<256x2048xi32>
    %select_n3A_249 = arith.select %eq3A_246, %iota3A, %broadcast_in_dim3A_248 : vector<256x2048xi1>, vector<256x2048xi32>
    %reduce_min3A_250 = arith.constant dense<2147483647> : vector<256xi32>
    %reduce_min3A_251 = vector.multi_reduction <minsi>, %select_n3A_249, %reduce_min3A_250 [1] : vector<256x2048xi32> to vector<256xi32>
    %broadcast_in_dim3A_252 = vector.shape_cast %reduce_min3A_251 : vector<256xi32> to vector<256x1xi32>
    %ge3A_253 = vector.broadcast %broadcast_in_dim3A_244 : vector<256x1xf32> to vector<256x2048xf32>
    %ge3A_254 = arith.cmpf oge, %neg3A_23, %ge3A_253 : vector<256x2048xf32>
    %jit3A_255 = arith.constant -3.000000e+38 : f32
    %broadcast_in_dim3A_256 = vector.broadcast %jit3A_255 : f32 to vector<256x2048xf32>
    %select_n3A_257 = arith.select %ge3A_254, %broadcast_in_dim3A_256, %neg3A_23 : vector<256x2048xi1>, vector<256x2048xf32>
    %reduce_max3A_258 = arith.constant dense<0xFF800000> : vector<256xf32>
    %reduce_max3A_259 = vector.multi_reduction <maximumf>, %select_n3A_257, %reduce_max3A_258 [1] : vector<256x2048xf32> to vector<256xf32>
    %broadcast_in_dim3A_260 = vector.shape_cast %reduce_max3A_259 : vector<256xf32> to vector<256x1xf32>
    %eq3A_261 = vector.broadcast %broadcast_in_dim3A_260 : vector<256x1xf32> to vector<256x2048xf32>
    %eq3A_262 = arith.cmpf oeq, %neg3A_23, %eq3A_261 : vector<256x2048xf32>
    %jit3A_263 = arith.constant 2048 : i32
    %broadcast_in_dim3A_264 = vector.broadcast %jit3A_263 : i32 to vector<256x2048xi32>
    %select_n3A_265 = arith.select %eq3A_262, %iota3A, %broadcast_in_dim3A_264 : vector<256x2048xi1>, vector<256x2048xi32>
    %reduce_min3A_266 = arith.constant dense<2147483647> : vector<256xi32>
    %reduce_min3A_267 = vector.multi_reduction <minsi>, %select_n3A_265, %reduce_min3A_266 [1] : vector<256x2048xi32> to vector<256xi32>
    %broadcast_in_dim3A_268 = vector.shape_cast %reduce_min3A_267 : vector<256xi32> to vector<256x1xi32>
    %ge3A_269 = vector.broadcast %broadcast_in_dim3A_260 : vector<256x1xf32> to vector<256x2048xf32>
    %ge3A_270 = arith.cmpf oge, %neg3A_23, %ge3A_269 : vector<256x2048xf32>
    %jit3A_271 = arith.constant -3.000000e+38 : f32
    %broadcast_in_dim3A_272 = vector.broadcast %jit3A_271 : f32 to vector<256x2048xf32>
    %select_n3A_273 = arith.select %ge3A_270, %broadcast_in_dim3A_272, %neg3A_23 : vector<256x2048xi1>, vector<256x2048xf32>
    %reduce_max3A_274 = arith.constant dense<0xFF800000> : vector<256xf32>
    %reduce_max3A_275 = vector.multi_reduction <maximumf>, %select_n3A_273, %reduce_max3A_274 [1] : vector<256x2048xf32> to vector<256xf32>
    %broadcast_in_dim3A_276 = vector.shape_cast %reduce_max3A_275 : vector<256xf32> to vector<256x1xf32>
    %eq3A_277 = vector.broadcast %broadcast_in_dim3A_276 : vector<256x1xf32> to vector<256x2048xf32>
    %eq3A_278 = arith.cmpf oeq, %neg3A_23, %eq3A_277 : vector<256x2048xf32>
    %jit3A_279 = arith.constant 2048 : i32
    %broadcast_in_dim3A_280 = vector.broadcast %jit3A_279 : i32 to vector<256x2048xi32>
    %select_n3A_281 = arith.select %eq3A_278, %iota3A, %broadcast_in_dim3A_280 : vector<256x2048xi1>, vector<256x2048xi32>
    %reduce_min3A_282 = arith.constant dense<2147483647> : vector<256xi32>
    %reduce_min3A_283 = vector.multi_reduction <minsi>, %select_n3A_281, %reduce_min3A_282 [1] : vector<256x2048xi32> to vector<256xi32>
    %broadcast_in_dim3A_284 = vector.shape_cast %reduce_min3A_283 : vector<256xi32> to vector<256x1xi32>
    %ge3A_285 = vector.broadcast %broadcast_in_dim3A_276 : vector<256x1xf32> to vector<256x2048xf32>
    %ge3A_286 = arith.cmpf oge, %neg3A_23, %ge3A_285 : vector<256x2048xf32>
    %jit3A_287 = arith.constant -3.000000e+38 : f32
    %broadcast_in_dim3A_288 = vector.broadcast %jit3A_287 : f32 to vector<256x2048xf32>
    %select_n3A_289 = arith.select %ge3A_286, %broadcast_in_dim3A_288, %neg3A_23 : vector<256x2048xi1>, vector<256x2048xf32>
    %reduce_max3A_290 = arith.constant dense<0xFF800000> : vector<256xf32>
    %reduce_max3A_291 = vector.multi_reduction <maximumf>, %select_n3A_289, %reduce_max3A_290 [1] : vector<256x2048xf32> to vector<256xf32>
    %broadcast_in_dim3A_292 = vector.shape_cast %reduce_max3A_291 : vector<256xf32> to vector<256x1xf32>
    %eq3A_293 = vector.broadcast %broadcast_in_dim3A_292 : vector<256x1xf32> to vector<256x2048xf32>
    %eq3A_294 = arith.cmpf oeq, %neg3A_23, %eq3A_293 : vector<256x2048xf32>
    %jit3A_295 = arith.constant 2048 : i32
    %broadcast_in_dim3A_296 = vector.broadcast %jit3A_295 : i32 to vector<256x2048xi32>
    %select_n3A_297 = arith.select %eq3A_294, %iota3A, %broadcast_in_dim3A_296 : vector<256x2048xi1>, vector<256x2048xi32>
    %reduce_min3A_298 = arith.constant dense<2147483647> : vector<256xi32>
    %reduce_min3A_299 = vector.multi_reduction <minsi>, %select_n3A_297, %reduce_min3A_298 [1] : vector<256x2048xi32> to vector<256xi32>
    %broadcast_in_dim3A_300 = vector.shape_cast %reduce_min3A_299 : vector<256xi32> to vector<256x1xi32>
    %ge3A_301 = vector.broadcast %broadcast_in_dim3A_292 : vector<256x1xf32> to vector<256x2048xf32>
    %ge3A_302 = arith.cmpf oge, %neg3A_23, %ge3A_301 : vector<256x2048xf32>
    %jit3A_303 = arith.constant -3.000000e+38 : f32
    %broadcast_in_dim3A_304 = vector.broadcast %jit3A_303 : f32 to vector<256x2048xf32>
    %select_n3A_305 = arith.select %ge3A_302, %broadcast_in_dim3A_304, %neg3A_23 : vector<256x2048xi1>, vector<256x2048xf32>
    %reduce_max3A_306 = arith.constant dense<0xFF800000> : vector<256xf32>
    %reduce_max3A_307 = vector.multi_reduction <maximumf>, %select_n3A_305, %reduce_max3A_306 [1] : vector<256x2048xf32> to vector<256xf32>
    %broadcast_in_dim3A_308 = vector.shape_cast %reduce_max3A_307 : vector<256xf32> to vector<256x1xf32>
    %eq3A_309 = vector.broadcast %broadcast_in_dim3A_308 : vector<256x1xf32> to vector<256x2048xf32>
    %eq3A_310 = arith.cmpf oeq, %neg3A_23, %eq3A_309 : vector<256x2048xf32>
    %jit3A_311 = arith.constant 2048 : i32
    %broadcast_in_dim3A_312 = vector.broadcast %jit3A_311 : i32 to vector<256x2048xi32>
    %select_n3A_313 = arith.select %eq3A_310, %iota3A, %broadcast_in_dim3A_312 : vector<256x2048xi1>, vector<256x2048xi32>
    %reduce_min3A_314 = arith.constant dense<2147483647> : vector<256xi32>
    %reduce_min3A_315 = vector.multi_reduction <minsi>, %select_n3A_313, %reduce_min3A_314 [1] : vector<256x2048xi32> to vector<256xi32>
    %broadcast_in_dim3A_316 = vector.shape_cast %reduce_min3A_315 : vector<256xi32> to vector<256x1xi32>
    %ge3A_317 = vector.broadcast %broadcast_in_dim3A_308 : vector<256x1xf32> to vector<256x2048xf32>
    %ge3A_318 = arith.cmpf oge, %neg3A_23, %ge3A_317 : vector<256x2048xf32>
    %jit3A_319 = arith.constant -3.000000e+38 : f32
    %broadcast_in_dim3A_320 = vector.broadcast %jit3A_319 : f32 to vector<256x2048xf32>
    %select_n3A_321 = arith.select %ge3A_318, %broadcast_in_dim3A_320, %neg3A_23 : vector<256x2048xi1>, vector<256x2048xf32>
    %reduce_max3A_322 = arith.constant dense<0xFF800000> : vector<256xf32>
    %reduce_max3A_323 = vector.multi_reduction <maximumf>, %select_n3A_321, %reduce_max3A_322 [1] : vector<256x2048xf32> to vector<256xf32>
    %broadcast_in_dim3A_324 = vector.shape_cast %reduce_max3A_323 : vector<256xf32> to vector<256x1xf32>
    %eq3A_325 = vector.broadcast %broadcast_in_dim3A_324 : vector<256x1xf32> to vector<256x2048xf32>
    %eq3A_326 = arith.cmpf oeq, %neg3A_23, %eq3A_325 : vector<256x2048xf32>
    %jit3A_327 = arith.constant 2048 : i32
    %broadcast_in_dim3A_328 = vector.broadcast %jit3A_327 : i32 to vector<256x2048xi32>
    %select_n3A_329 = arith.select %eq3A_326, %iota3A, %broadcast_in_dim3A_328 : vector<256x2048xi1>, vector<256x2048xi32>
    %reduce_min3A_330 = arith.constant dense<2147483647> : vector<256xi32>
    %reduce_min3A_331 = vector.multi_reduction <minsi>, %select_n3A_329, %reduce_min3A_330 [1] : vector<256x2048xi32> to vector<256xi32>
    %broadcast_in_dim3A_332 = vector.shape_cast %reduce_min3A_331 : vector<256xi32> to vector<256x1xi32>
    %concatenate3A = tpu.concatenate %broadcast_in_dim3A_29, %broadcast_in_dim3A_44, %broadcast_in_dim3A_60, %broadcast_in_dim3A_76, %broadcast_in_dim3A_92, %broadcast_in_dim3A_108, %broadcast_in_dim3A_124, %broadcast_in_dim3A_140, %broadcast_in_dim3A_156, %broadcast_in_dim3A_172, %broadcast_in_dim3A_188, %broadcast_in_dim3A_204, %broadcast_in_dim3A_220, %broadcast_in_dim3A_236, %broadcast_in_dim3A_252, %broadcast_in_dim3A_268, %broadcast_in_dim3A_284, %broadcast_in_dim3A_300, %broadcast_in_dim3A_316, %broadcast_in_dim3A_332 in 1 : vector<256x1xi32>, vector<256x1xi32>, vector<256x1xi32>, vector<256x1xi32>, vector<256x1xi32>, vector<256x1xi32>, vector<256x1xi32>, vector<256x1xi32>, vector<256x1xi32>, vector<256x1xi32>, vector<256x1xi32>, vector<256x1xi32>, vector<256x1xi32>, vector<256x1xi32>, vector<256x1xi32>, vector<256x1xi32>, vector<256x1xi32>, vector<256x1xi32>, vector<256x1xi32>, vector<256x1xi32> -> vector<256x20xi32>
    %mul3A_333 = arith.constant 2048 : i32
    %mul3A_334 = arith.muli %arg0, %mul3A_333 : i32
    %add3A_335 = vector.broadcast %mul3A_334 : i32 to vector<256x20xi32>
    %add3A_336 = arith.addi %concatenate3A, %add3A_335 : vector<256x20xi32>
    %swap3A = arith.constant 0 : index
    %swap3A_337 = arith.constant 0 : index
    %swap3A_338 = arith.constant 0 : index
    %swap3A_339 = vector.load %arg4[%swap3A, %swap3A_337, %swap3A_338] : memref<1x256x20xi32, #tpu.memory_space<vmem>>, vector<1x256x20xi32>
    %swap3A_340 = vector.shape_cast %swap3A_339 : vector<1x256x20xi32> to vector<256x20xi32>
    %swap3A_341 = vector.shape_cast %add3A_336 : vector<256x20xi32> to vector<1x256x20xi32>
    tpu.vector_store %arg4[%swap3A, %swap3A_337, %swap3A_338], %swap3A_341 {strides = array<i32>} : memref<1x256x20xi32, #tpu.memory_space<vmem>>, vector<1x256x20xi32>,
    return
  }
  func.func @transform_0(%arg0: i32, %arg1: i32) -> (i32, i32, i32) {
    %c0_i32 = arith.constant 0 : i32
    %c0_i32_0 = arith.constant 0 : i32
    %c0_i32_1 = arith.constant 0 : i32
    return %arg0, %c0_i32, %c0_i32_0 : i32, i32, i32
  }
  func.func @transform_1(%arg0: i32, %arg1: i32) -> (i32, i32, i32) {
    %c0_i32 = arith.constant 0 : i32
    %c0_i32_0 = arith.constant 0 : i32
    %c0_i32_1 = arith.constant 0 : i32
    return %arg0, %c0_i32, %c0_i32_0 : i32, i32, i32
  }
  func.func @transform_2(%arg0: i32, %arg1: i32) -> (i32, i32, i32) {
    %c0_i32 = arith.constant 0 : i32
    %c0_i32_0 = arith.constant 0 : i32
    return %arg0, %arg1, %c0_i32 : i32, i32, i32
  }
}

module attributes {stable_mosaic.version = 14 : i64} {
  func.func @_stats1_body(%arg0: i32, %arg1: i32, %arg2: memref<20x1x32x128xf32, #tpu.memory_space<vmem>>, %arg3: memref<1x32x24xf32, #tpu.memory_space<vmem>>, %arg4: memref<128x512xf32, #tpu.memory_space<vmem>>, %arg5: memref<24x512xf32, #tpu.memory_space<vmem>>, %arg6: memref<8x64xf32, #tpu.memory_space<vmem>>, %arg7: memref<8x64xf32, #tpu.memory_space<vmem>>) attributes {dimension_semantics = [#tpu.dimension_semantics<arbitrary>, #tpu.dimension_semantics<arbitrary>], iteration_bounds = array<i64: 8, 8>, scalar_prefetch = 0 : i64, scratch_operands = 0 : i64, tpu.core_type = #tpu.core_type<tc>, window_params = [{transform_indices = @transform_0, window_bounds = array<i64: 20, 1, 32, 128>}, {transform_indices = @transform_1, window_bounds = array<i64: 1, 32, 24>}, {pipeline_mode = #tpu.pipeline_mode<synchronous>, transform_indices = @transform_2, window_bounds = array<i64: 128, 512>}, {pipeline_mode = #tpu.pipeline_mode<synchronous>, transform_indices = @transform_3, window_bounds = array<i64: 24, 512>}, {pipeline_mode = #tpu.pipeline_mode<synchronous>, transform_indices = @transform_4, window_bounds = array<i64: 8, 64>}, {pipeline_mode = #tpu.pipeline_mode<synchronous>, transform_indices = @transform_5, window_bounds = array<i64: 8, 64>}]} {
    %get3A = arith.constant 0 : index
    %get3A_0 = arith.constant 0 : index
    %get3A_1 = arith.constant 0 : index
    %get3A_2 = arith.constant 0 : index
    %get3A_3 = vector.load %arg2[%get3A, %get3A_0, %get3A_1, %get3A_2] : memref<20x1x32x128xf32, #tpu.memory_space<vmem>>, vector<20x1x32x128xf32>
    %get3A_4 = vector.shape_cast %get3A_3 : vector<20x1x32x128xf32> to vector<20x32x128xf32>
    %reshape3A = vector.shape_cast %get3A_4 : vector<20x32x128xf32> to vector<640x128xf32>
    %get3A_5 = arith.constant 0 : index
    %get3A_6 = arith.constant 0 : index
    %get3A_7 = vector.load %arg4[%get3A_5, %get3A_6] : memref<128x512xf32, #tpu.memory_space<vmem>>, vector<128x512xf32>
    %dot_general3A = arith.constant dense<0.000000e+00> : vector<640x512xf32>
    %dot_general3A_8 = tpu.matmul %reshape3A, %get3A_7, %dot_general3A {dimension_numbers = #tpu.dot_dimension_numbers<[1], [0], [0], [1], [0, 0, 1, 1], [], []>, transpose_lhs_hint = false} : vector<640x128xf32>, vector<128x512xf32>, vector<640x512xf32> -> vector<640x512xf32>
    %get3A_9 = arith.constant 0 : index
    %get3A_10 = arith.constant 0 : index
    %get3A_11 = arith.constant 0 : index
    %get3A_12 = vector.load %arg3[%get3A_9, %get3A_10, %get3A_11] : memref<1x32x24xf32, #tpu.memory_space<vmem>>, vector<1x32x24xf32>
    %get3A_13 = vector.shape_cast %get3A_12 : vector<1x32x24xf32> to vector<32x24xf32>
    %get3A_14 = arith.constant 0 : index
    %get3A_15 = arith.constant 0 : index
    %get3A_16 = vector.load %arg5[%get3A_14, %get3A_15] : memref<24x512xf32, #tpu.memory_space<vmem>>, vector<24x512xf32>
    %dot_general3A_17 = arith.constant dense<0.000000e+00> : vector<32x512xf32>
    %dot_general3A_18 = tpu.matmul %get3A_13, %get3A_16, %dot_general3A_17 {dimension_numbers = #tpu.dot_dimension_numbers<[1], [0], [0], [1], [0, 0, 1, 1], [], []>, transpose_lhs_hint = false} : vector<32x24xf32>, vector<24x512xf32>, vector<32x512xf32> -> vector<32x512xf32>
    %reshape3A_19 = vector.shape_cast %dot_general3A_8 : vector<640x512xf32> to vector<20x32x512xf32>
    %broadcast_in_dim3A = vector.shape_cast %dot_general3A_18 : vector<32x512xf32> to vector<1x32x512xf32>
    %add3A = vector.broadcast %broadcast_in_dim3A : vector<1x32x512xf32> to vector<20x32x512xf32>
    %add3A_20 = arith.addf %reshape3A_19, %add3A : vector<20x32x512xf32>
    %reshape3A_21 = vector.shape_cast %add3A_20 : vector<20x32x512xf32> to vector<640x512xf32>
    %reduce_sum3A = arith.constant dense<0.000000e+00> : vector<512xf32>
    %reduce_sum3A_22 = vector.multi_reduction <add>, %reshape3A_21, %reduce_sum3A [0] : vector<640x512xf32> to vector<512xf32>
    %slice3A = vector.extract_strided_slice %reduce_sum3A_22 {offsets = [0], sizes = [64], strides = [1]} : vector<512xf32> to vector<64xf32>
    %slice3A_23 = vector.extract_strided_slice %reduce_sum3A_22 {offsets = [64], sizes = [64], strides = [1]} : vector<512xf32> to vector<64xf32>
    %add3A_24 = arith.addf %slice3A, %slice3A_23 : vector<64xf32>
    %slice3A_25 = vector.extract_strided_slice %reduce_sum3A_22 {offsets = [128], sizes = [64], strides = [1]} : vector<512xf32> to vector<64xf32>
    %add3A_26 = arith.addf %add3A_24, %slice3A_25 : vector<64xf32>
    %slice3A_27 = vector.extract_strided_slice %reduce_sum3A_22 {offsets = [192], sizes = [64], strides = [1]} : vector<512xf32> to vector<64xf32>
    %add3A_28 = arith.addf %add3A_26, %slice3A_27 : vector<64xf32>
    %slice3A_29 = vector.extract_strided_slice %reduce_sum3A_22 {offsets = [256], sizes = [64], strides = [1]} : vector<512xf32> to vector<64xf32>
    %add3A_30 = arith.addf %add3A_28, %slice3A_29 : vector<64xf32>
    %slice3A_31 = vector.extract_strided_slice %reduce_sum3A_22 {offsets = [320], sizes = [64], strides = [1]} : vector<512xf32> to vector<64xf32>
    %add3A_32 = arith.addf %add3A_30, %slice3A_31 : vector<64xf32>
    %slice3A_33 = vector.extract_strided_slice %reduce_sum3A_22 {offsets = [384], sizes = [64], strides = [1]} : vector<512xf32> to vector<64xf32>
    %add3A_34 = arith.addf %add3A_32, %slice3A_33 : vector<64xf32>
    %slice3A_35 = vector.extract_strided_slice %reduce_sum3A_22 {offsets = [448], sizes = [64], strides = [1]} : vector<512xf32> to vector<64xf32>
    %add3A_36 = arith.addf %add3A_34, %slice3A_35 : vector<64xf32>
    %mul3A = arith.mulf %reshape3A_21, %reshape3A_21 : vector<640x512xf32>
    %reduce_sum3A_37 = arith.constant dense<0.000000e+00> : vector<512xf32>
    %reduce_sum3A_38 = vector.multi_reduction <add>, %mul3A, %reduce_sum3A_37 [0] : vector<640x512xf32> to vector<512xf32>
    %slice3A_39 = vector.extract_strided_slice %reduce_sum3A_38 {offsets = [0], sizes = [64], strides = [1]} : vector<512xf32> to vector<64xf32>
    %slice3A_40 = vector.extract_strided_slice %reduce_sum3A_38 {offsets = [64], sizes = [64], strides = [1]} : vector<512xf32> to vector<64xf32>
    %add3A_41 = arith.addf %slice3A_39, %slice3A_40 : vector<64xf32>
    %slice3A_42 = vector.extract_strided_slice %reduce_sum3A_38 {offsets = [128], sizes = [64], strides = [1]} : vector<512xf32> to vector<64xf32>
    %add3A_43 = arith.addf %add3A_41, %slice3A_42 : vector<64xf32>
    %slice3A_44 = vector.extract_strided_slice %reduce_sum3A_38 {offsets = [192], sizes = [64], strides = [1]} : vector<512xf32> to vector<64xf32>
    %add3A_45 = arith.addf %add3A_43, %slice3A_44 : vector<64xf32>
    %slice3A_46 = vector.extract_strided_slice %reduce_sum3A_38 {offsets = [256], sizes = [64], strides = [1]} : vector<512xf32> to vector<64xf32>
    %add3A_47 = arith.addf %add3A_45, %slice3A_46 : vector<64xf32>
    %slice3A_48 = vector.extract_strided_slice %reduce_sum3A_38 {offsets = [320], sizes = [64], strides = [1]} : vector<512xf32> to vector<64xf32>
    %add3A_49 = arith.addf %add3A_47, %slice3A_48 : vector<64xf32>
    %slice3A_50 = vector.extract_strided_slice %reduce_sum3A_38 {offsets = [384], sizes = [64], strides = [1]} : vector<512xf32> to vector<64xf32>
    %add3A_51 = arith.addf %add3A_49, %slice3A_50 : vector<64xf32>
    %slice3A_52 = vector.extract_strided_slice %reduce_sum3A_38 {offsets = [448], sizes = [64], strides = [1]} : vector<512xf32> to vector<64xf32>
    %add3A_53 = arith.addf %add3A_51, %slice3A_52 : vector<64xf32>
    %eq3A = arith.constant 0 : i32
    %eq3A_54 = arith.cmpi eq, %arg1, %eq3A : i32
    %convert_element_type3A = arith.extui %eq3A_54 : i1 to i32
    %cond3A = arith.constant 0 : i32
    %cond3A_55 = arith.cmpi ne, %convert_element_type3A, %cond3A : i32
    scf.if %cond3A_55 {
      %broadcast_in_dim3A_60 = vector.shape_cast %add3A_36 : vector<64xf32> to vector<1x64xf32>
      %swap3A = arith.index_cast %arg0 : i32 to index
      %swap3A_61 = arith.constant 0 : index
      %swap3A_62 = vector.load %arg6[%swap3A, %swap3A_61] : memref<8x64xf32, #tpu.memory_space<vmem>>, vector<1x64xf32>
      tpu.vector_store %arg6[%swap3A, %swap3A_61], %broadcast_in_dim3A_60 {strides = array<i32>} : memref<8x64xf32, #tpu.memory_space<vmem>>, vector<1x64xf32>,
      %broadcast_in_dim3A_63 = vector.shape_cast %add3A_53 : vector<64xf32> to vector<1x64xf32>
      %swap3A_64 = arith.index_cast %arg0 : i32 to index
      %swap3A_65 = arith.constant 0 : index
      %swap3A_66 = vector.load %arg7[%swap3A_64, %swap3A_65] : memref<8x64xf32, #tpu.memory_space<vmem>>, vector<1x64xf32>
      tpu.vector_store %arg7[%swap3A_64, %swap3A_65], %broadcast_in_dim3A_63 {strides = array<i32>} : memref<8x64xf32, #tpu.memory_space<vmem>>, vector<1x64xf32>,
    } else {
    }
    %gt3A = arith.constant 0 : i32
    %gt3A_56 = arith.cmpi sgt, %arg1, %gt3A : i32
    %convert_element_type3A_57 = arith.extui %gt3A_56 : i1 to i32
    %cond3A_58 = arith.constant 0 : i32
    %cond3A_59 = arith.cmpi ne, %convert_element_type3A_57, %cond3A_58 : i32
    scf.if %cond3A_59 {
      %get3A_60 = arith.index_cast %arg0 : i32 to index
      %get3A_61 = arith.constant 0 : index
      %get3A_62 = vector.load %arg6[%get3A_60, %get3A_61] : memref<8x64xf32, #tpu.memory_space<vmem>>, vector<1x64xf32>
      %broadcast_in_dim3A_63 = vector.shape_cast %add3A_36 : vector<64xf32> to vector<1x64xf32>
      %add3A_64 = arith.addf %get3A_62, %broadcast_in_dim3A_63 : vector<1x64xf32>
      %swap3A = arith.index_cast %arg0 : i32 to index
      %swap3A_65 = arith.constant 0 : index
      %swap3A_66 = vector.load %arg6[%swap3A, %swap3A_65] : memref<8x64xf32, #tpu.memory_space<vmem>>, vector<1x64xf32>
      tpu.vector_store %arg6[%swap3A, %swap3A_65], %add3A_64 {strides = array<i32>} : memref<8x64xf32, #tpu.memory_space<vmem>>, vector<1x64xf32>,
      %get3A_67 = arith.index_cast %arg0 : i32 to index
      %get3A_68 = arith.constant 0 : index
      %get3A_69 = vector.load %arg7[%get3A_67, %get3A_68] : memref<8x64xf32, #tpu.memory_space<vmem>>, vector<1x64xf32>
      %broadcast_in_dim3A_70 = vector.shape_cast %add3A_53 : vector<64xf32> to vector<1x64xf32>
      %add3A_71 = arith.addf %get3A_69, %broadcast_in_dim3A_70 : vector<1x64xf32>
      %swap3A_72 = arith.index_cast %arg0 : i32 to index
      %swap3A_73 = arith.constant 0 : index
      %swap3A_74 = vector.load %arg7[%swap3A_72, %swap3A_73] : memref<8x64xf32, #tpu.memory_space<vmem>>, vector<1x64xf32>
      tpu.vector_store %arg7[%swap3A_72, %swap3A_73], %add3A_71 {strides = array<i32>} : memref<8x64xf32, #tpu.memory_space<vmem>>, vector<1x64xf32>,
    } else {
    }
    return
  }
  func.func @transform_0(%arg0: i32, %arg1: i32) -> (i32, i32, i32, i32) {
    %c0_i32 = arith.constant 0 : i32
    %c0_i32_0 = arith.constant 0 : i32
    %c0_i32_1 = arith.constant 0 : i32
    return %c0_i32, %arg0, %arg1, %c0_i32_0 : i32, i32, i32, i32
  }
  func.func @transform_1(%arg0: i32, %arg1: i32) -> (i32, i32, i32) {
    %c0_i32 = arith.constant 0 : i32
    %c0_i32_0 = arith.constant 0 : i32
    return %arg0, %arg1, %c0_i32 : i32, i32, i32
  }
  func.func @transform_2(%arg0: i32, %arg1: i32) -> (i32, i32) {
    %c0_i32 = arith.constant 0 : i32
    %c0_i32_0 = arith.constant 0 : i32
    %c0_i32_1 = arith.constant 0 : i32
    return %c0_i32, %c0_i32_0 : i32, i32
  }
  func.func @transform_3(%arg0: i32, %arg1: i32) -> (i32, i32) {
    %c0_i32 = arith.constant 0 : i32
    %c0_i32_0 = arith.constant 0 : i32
    %c0_i32_1 = arith.constant 0 : i32
    return %c0_i32, %c0_i32_0 : i32, i32
  }
  func.func @transform_4(%arg0: i32, %arg1: i32) -> (i32, i32) {
    %c0_i32 = arith.constant 0 : i32
    %c0_i32_0 = arith.constant 0 : i32
    %c0_i32_1 = arith.constant 0 : i32
    return %c0_i32, %c0_i32_0 : i32, i32
  }
  func.func @transform_5(%arg0: i32, %arg1: i32) -> (i32, i32) {
    %c0_i32 = arith.constant 0 : i32
    %c0_i32_0 = arith.constant 0 : i32
    %c0_i32_1 = arith.constant 0 : i32
    return %c0_i32, %c0_i32_0 : i32, i32
  }
}

module attributes {stable_mosaic.version = 14 : i64} {
  func.func @_stats2_body(%arg0: i32, %arg1: i32, %arg2: memref<20x1x32x128xf32, #tpu.memory_space<vmem>>, %arg3: memref<1x32x24xf32, #tpu.memory_space<vmem>>, %arg4: memref<128x512xf32, #tpu.memory_space<vmem>>, %arg5: memref<24x512xf32, #tpu.memory_space<vmem>>, %arg6: memref<2x64xf32, #tpu.memory_space<vmem>>, %arg7: memref<8x64xf32, #tpu.memory_space<vmem>>, %arg8: memref<8x64xf32, #tpu.memory_space<vmem>>, %arg9: memref<512x512xf32, #tpu.memory_space<vmem>>, %arg10: memref<8x64xf32, #tpu.memory_space<vmem>>, %arg11: memref<8x64xf32, #tpu.memory_space<vmem>>, %arg12: memref<1x8x32x64xf32, #tpu.memory_space<vmem>>, %arg13: memref<1x8x32x64xf32, #tpu.memory_space<vmem>>) attributes {dimension_semantics = [#tpu.dimension_semantics<arbitrary>, #tpu.dimension_semantics<arbitrary>], iteration_bounds = array<i64: 8, 8>, scalar_prefetch = 0 : i64, scratch_operands = 0 : i64, tpu.core_type = #tpu.core_type<tc>, window_params = [{transform_indices = @transform_0, window_bounds = array<i64: 20, 1, 32, 128>}, {transform_indices = @transform_1, window_bounds = array<i64: 1, 32, 24>}, {pipeline_mode = #tpu.pipeline_mode<synchronous>, transform_indices = @transform_2, window_bounds = array<i64: 128, 512>}, {pipeline_mode = #tpu.pipeline_mode<synchronous>, transform_indices = @transform_3, window_bounds = array<i64: 24, 512>}, {pipeline_mode = #tpu.pipeline_mode<synchronous>, transform_indices = @transform_4, window_bounds = array<i64: 2, 64>}, {pipeline_mode = #tpu.pipeline_mode<synchronous>, transform_indices = @transform_5, window_bounds = array<i64: 8, 64>}, {pipeline_mode = #tpu.pipeline_mode<synchronous>, transform_indices = @transform_6, window_bounds = array<i64: 8, 64>}, {pipeline_mode = #tpu.pipeline_mode<synchronous>, transform_indices = @transform_7, window_bounds = array<i64: 512, 512>}, {pipeline_mode = #tpu.pipeline_mode<synchronous>, transform_indices = @transform_8, window_bounds = array<i64: 8, 64>}, {pipeline_mode = #tpu.pipeline_mode<synchronous>, transform_indices = @transform_9, window_bounds = array<i64: 8, 64>}, {transform_indices = @transform_10, window_bounds = array<i64: 1, 8, 32, 64>}, {transform_indices = @transform_11, window_bounds = array<i64: 1, 8, 32, 64>}]} {
    %get3A = arith.constant 0 : index
    %get3A_0 = arith.constant 0 : index
    %get3A_1 = vector.load %arg7[%get3A, %get3A_0] : memref<8x64xf32, #tpu.memory_space<vmem>>, vector<8x64xf32>
    %reduce_sum3A = arith.constant dense<0.000000e+00> : vector<64xf32>
    %reduce_sum3A_2 = vector.multi_reduction <add>, %get3A_1, %reduce_sum3A [0] : vector<8x64xf32> to vector<64xf32>
    %mul3A = arith.constant 3.05175786E-6 : f32
    %mul3A_3 = vector.broadcast %mul3A : f32 to vector<64xf32>
    %mul3A_4 = arith.mulf %reduce_sum3A_2, %mul3A_3 : vector<64xf32>
    %get3A_5 = arith.constant 0 : index
    %get3A_6 = arith.constant 0 : index
    %get3A_7 = vector.load %arg8[%get3A_5, %get3A_6] : memref<8x64xf32, #tpu.memory_space<vmem>>, vector<8x64xf32>
    %reduce_sum3A_8 = arith.constant dense<0.000000e+00> : vector<64xf32>
    %reduce_sum3A_9 = vector.multi_reduction <add>, %get3A_7, %reduce_sum3A_8 [0] : vector<8x64xf32> to vector<64xf32>
    %mul3A_10 = arith.constant 3.05175786E-6 : f32
    %mul3A_11 = vector.broadcast %mul3A_10 : f32 to vector<64xf32>
    %mul3A_12 = arith.mulf %reduce_sum3A_9, %mul3A_11 : vector<64xf32>
    %mul3A_13 = arith.mulf %mul3A_4, %mul3A_4 : vector<64xf32>
    %sub3A = arith.subf %mul3A_12, %mul3A_13 : vector<64xf32>
    %get3A_14 = arith.constant 0 : index
    %get3A_15 = arith.constant 0 : index
    %get3A_16 = vector.load %arg6[%get3A_14, %get3A_15] : memref<2x64xf32, #tpu.memory_space<vmem>>, vector<1x64xf32>
    %get3A_17 = vector.shape_cast %get3A_16 : vector<1x64xf32> to vector<64xf32>
    %add3A = arith.constant 9.99999974E-6 : f32
    %add3A_18 = vector.broadcast %add3A : f32 to vector<64xf32>
    %add3A_19 = arith.addf %sub3A, %add3A_18 : vector<64xf32>
    %rsqrt3A = math.rsqrt %add3A_19 : vector<64xf32>
    %mul3A_20 = arith.mulf %get3A_17, %rsqrt3A : vector<64xf32>
    %get3A_21 = arith.constant 1 : index
    %get3A_22 = arith.constant 0 : index
    %get3A_23 = vector.load %arg6[%get3A_21, %get3A_22] : memref<2x64xf32, #tpu.memory_space<vmem>>, vector<1x64xf32>
    %get3A_24 = vector.shape_cast %get3A_23 : vector<1x64xf32> to vector<64xf32>
    %mul3A_25 = arith.mulf %mul3A_4, %mul3A_20 : vector<64xf32>
    %sub3A_26 = arith.subf %get3A_24, %mul3A_25 : vector<64xf32>
    %concatenate3A = tpu.concatenate %mul3A_20, %mul3A_20, %mul3A_20, %mul3A_20, %mul3A_20, %mul3A_20, %mul3A_20, %mul3A_20 in 0 : vector<64xf32>, vector<64xf32>, vector<64xf32>, vector<64xf32>, vector<64xf32>, vector<64xf32>, vector<64xf32>, vector<64xf32> -> vector<512xf32>
    %concatenate3A_27 = tpu.concatenate %sub3A_26, %sub3A_26, %sub3A_26, %sub3A_26, %sub3A_26, %sub3A_26, %sub3A_26, %sub3A_26 in 0 : vector<64xf32>, vector<64xf32>, vector<64xf32>, vector<64xf32>, vector<64xf32>, vector<64xf32>, vector<64xf32>, vector<64xf32> -> vector<512xf32>
    %get3A_28 = arith.constant 0 : index
    %get3A_29 = arith.constant 0 : index
    %get3A_30 = arith.constant 0 : index
    %get3A_31 = arith.constant 0 : index
    %get3A_32 = vector.load %arg2[%get3A_28, %get3A_29, %get3A_30, %get3A_31] : memref<20x1x32x128xf32, #tpu.memory_space<vmem>>, vector<20x1x32x128xf32>
    %get3A_33 = vector.shape_cast %get3A_32 : vector<20x1x32x128xf32> to vector<20x32x128xf32>
    %reshape3A = vector.shape_cast %get3A_33 : vector<20x32x128xf32> to vector<640x128xf32>
    %get3A_34 = arith.constant 0 : index
    %get3A_35 = arith.constant 0 : index
    %get3A_36 = vector.load %arg4[%get3A_34, %get3A_35] : memref<128x512xf32, #tpu.memory_space<vmem>>, vector<128x512xf32>
    %dot_general3A = arith.constant dense<0.000000e+00> : vector<640x512xf32>
    %dot_general3A_37 = tpu.matmul %reshape3A, %get3A_36, %dot_general3A {dimension_numbers = #tpu.dot_dimension_numbers<[1], [0], [0], [1], [0, 0, 1, 1], [], []>, transpose_lhs_hint = false} : vector<640x128xf32>, vector<128x512xf32>, vector<640x512xf32> -> vector<640x512xf32>
    %get3A_38 = arith.constant 0 : index
    %get3A_39 = arith.constant 0 : index
    %get3A_40 = arith.constant 0 : index
    %get3A_41 = vector.load %arg3[%get3A_38, %get3A_39, %get3A_40] : memref<1x32x24xf32, #tpu.memory_space<vmem>>, vector<1x32x24xf32>
    %get3A_42 = vector.shape_cast %get3A_41 : vector<1x32x24xf32> to vector<32x24xf32>
    %get3A_43 = arith.constant 0 : index
    %get3A_44 = arith.constant 0 : index
    %get3A_45 = vector.load %arg5[%get3A_43, %get3A_44] : memref<24x512xf32, #tpu.memory_space<vmem>>, vector<24x512xf32>
    %dot_general3A_46 = arith.constant dense<0.000000e+00> : vector<32x512xf32>
    %dot_general3A_47 = tpu.matmul %get3A_42, %get3A_45, %dot_general3A_46 {dimension_numbers = #tpu.dot_dimension_numbers<[1], [0], [0], [1], [0, 0, 1, 1], [], []>, transpose_lhs_hint = false} : vector<32x24xf32>, vector<24x512xf32>, vector<32x512xf32> -> vector<32x512xf32>
    %reshape3A_48 = vector.shape_cast %dot_general3A_37 : vector<640x512xf32> to vector<20x32x512xf32>
    %broadcast_in_dim3A = vector.shape_cast %dot_general3A_47 : vector<32x512xf32> to vector<1x32x512xf32>
    %add3A_49 = vector.broadcast %broadcast_in_dim3A : vector<1x32x512xf32> to vector<20x32x512xf32>
    %add3A_50 = arith.addf %reshape3A_48, %add3A_49 : vector<20x32x512xf32>
    %broadcast_in_dim3A_51 = vector.shape_cast %concatenate3A : vector<512xf32> to vector<1x1x512xf32>
    %mul3A_52 = vector.broadcast %broadcast_in_dim3A_51 : vector<1x1x512xf32> to vector<20x32x512xf32>
    %mul3A_53 = arith.mulf %mul3A_52, %add3A_50 : vector<20x32x512xf32>
    %broadcast_in_dim3A_54 = vector.shape_cast %concatenate3A_27 : vector<512xf32> to vector<1x1x512xf32>
    %add3A_55 = vector.broadcast %broadcast_in_dim3A_54 : vector<1x1x512xf32> to vector<20x32x512xf32>
    %add3A_56 = arith.addf %mul3A_53, %add3A_55 : vector<20x32x512xf32>
    %gt3A = arith.constant 0.000000e+00 : f32
    %gt3A_57 = vector.broadcast %gt3A : f32 to vector<20x32x512xf32>
    %gt3A_58 = arith.cmpf ogt, %add3A_56, %gt3A_57 : vector<20x32x512xf32>
    %mul3A_59 = arith.constant 2.000000e-01 : f32
    %mul3A_60 = vector.broadcast %mul3A_59 : f32 to vector<20x32x512xf32>
    %mul3A_61 = arith.mulf %mul3A_60, %add3A_56 : vector<20x32x512xf32>
    %select_n3A = arith.select %gt3A_58, %add3A_56, %mul3A_61 : vector<20x32x512xi1>, vector<20x32x512xf32>
    %reshape3A_62 = vector.shape_cast %select_n3A : vector<20x32x512xf32> to vector<640x512xf32>
    %get3A_63 = arith.constant 0 : index
    %get3A_64 = arith.constant 0 : index
    %get3A_65 = vector.load %arg9[%get3A_63, %get3A_64] : memref<512x512xf32, #tpu.memory_space<vmem>>, vector<512x512xf32>
    %dot_general3A_66 = arith.constant dense<0.000000e+00> : vector<640x512xf32>
    %dot_general3A_67 = tpu.matmul %reshape3A_62, %get3A_65, %dot_general3A_66 {dimension_numbers = #tpu.dot_dimension_numbers<[1], [0], [0], [1], [0, 0, 1, 1], [], []>, transpose_lhs_hint = false} : vector<640x512xf32>, vector<512x512xf32>, vector<640x512xf32> -> vector<640x512xf32>
    %reduce_sum3A_68 = arith.constant dense<0.000000e+00> : vector<512xf32>
    %reduce_sum3A_69 = vector.multi_reduction <add>, %dot_general3A_67, %reduce_sum3A_68 [0] : vector<640x512xf32> to vector<512xf32>
    %slice3A = vector.extract_strided_slice %reduce_sum3A_69 {offsets = [0], sizes = [64], strides = [1]} : vector<512xf32> to vector<64xf32>
    %slice3A_70 = vector.extract_strided_slice %reduce_sum3A_69 {offsets = [64], sizes = [64], strides = [1]} : vector<512xf32> to vector<64xf32>
    %add3A_71 = arith.addf %slice3A, %slice3A_70 : vector<64xf32>
    %slice3A_72 = vector.extract_strided_slice %reduce_sum3A_69 {offsets = [128], sizes = [64], strides = [1]} : vector<512xf32> to vector<64xf32>
    %add3A_73 = arith.addf %add3A_71, %slice3A_72 : vector<64xf32>
    %slice3A_74 = vector.extract_strided_slice %reduce_sum3A_69 {offsets = [192], sizes = [64], strides = [1]} : vector<512xf32> to vector<64xf32>
    %add3A_75 = arith.addf %add3A_73, %slice3A_74 : vector<64xf32>
    %slice3A_76 = vector.extract_strided_slice %reduce_sum3A_69 {offsets = [256], sizes = [64], strides = [1]} : vector<512xf32> to vector<64xf32>
    %add3A_77 = arith.addf %add3A_75, %slice3A_76 : vector<64xf32>
    %slice3A_78 = vector.extract_strided_slice %reduce_sum3A_69 {offsets = [320], sizes = [64], strides = [1]} : vector<512xf32> to vector<64xf32>
    %add3A_79 = arith.addf %add3A_77, %slice3A_78 : vector<64xf32>
    %slice3A_80 = vector.extract_strided_slice %reduce_sum3A_69 {offsets = [384], sizes = [64], strides = [1]} : vector<512xf32> to vector<64xf32>
    %add3A_81 = arith.addf %add3A_79, %slice3A_80 : vector<64xf32>
    %slice3A_82 = vector.extract_strided_slice %reduce_sum3A_69 {offsets = [448], sizes = [64], strides = [1]} : vector<512xf32> to vector<64xf32>
    %add3A_83 = arith.addf %add3A_81, %slice3A_82 : vector<64xf32>
    %mul3A_84 = arith.mulf %dot_general3A_67, %dot_general3A_67 : vector<640x512xf32>
    %reduce_sum3A_85 = arith.constant dense<0.000000e+00> : vector<512xf32>
    %reduce_sum3A_86 = vector.multi_reduction <add>, %mul3A_84, %reduce_sum3A_85 [0] : vector<640x512xf32> to vector<512xf32>
    %slice3A_87 = vector.extract_strided_slice %reduce_sum3A_86 {offsets = [0], sizes = [64], strides = [1]} : vector<512xf32> to vector<64xf32>
    %slice3A_88 = vector.extract_strided_slice %reduce_sum3A_86 {offsets = [64], sizes = [64], strides = [1]} : vector<512xf32> to vector<64xf32>
    %add3A_89 = arith.addf %slice3A_87, %slice3A_88 : vector<64xf32>
    %slice3A_90 = vector.extract_strided_slice %reduce_sum3A_86 {offsets = [128], sizes = [64], strides = [1]} : vector<512xf32> to vector<64xf32>
    %add3A_91 = arith.addf %add3A_89, %slice3A_90 : vector<64xf32>
    %slice3A_92 = vector.extract_strided_slice %reduce_sum3A_86 {offsets = [192], sizes = [64], strides = [1]} : vector<512xf32> to vector<64xf32>
    %add3A_93 = arith.addf %add3A_91, %slice3A_92 : vector<64xf32>
    %slice3A_94 = vector.extract_strided_slice %reduce_sum3A_86 {offsets = [256], sizes = [64], strides = [1]} : vector<512xf32> to vector<64xf32>
    %add3A_95 = arith.addf %add3A_93, %slice3A_94 : vector<64xf32>
    %slice3A_96 = vector.extract_strided_slice %reduce_sum3A_86 {offsets = [320], sizes = [64], strides = [1]} : vector<512xf32> to vector<64xf32>
    %add3A_97 = arith.addf %add3A_95, %slice3A_96 : vector<64xf32>
    %slice3A_98 = vector.extract_strided_slice %reduce_sum3A_86 {offsets = [384], sizes = [64], strides = [1]} : vector<512xf32> to vector<64xf32>
    %add3A_99 = arith.addf %add3A_97, %slice3A_98 : vector<64xf32>
    %slice3A_100 = vector.extract_strided_slice %reduce_sum3A_86 {offsets = [448], sizes = [64], strides = [1]} : vector<512xf32> to vector<64xf32>
    %add3A_101 = arith.addf %add3A_99, %slice3A_100 : vector<64xf32>
    %reshape3A_102 = vector.shape_cast %dot_general3A_67 : vector<640x512xf32> to vector<20x32x512xf32>
    %reduce_max3A = arith.constant dense<0xFF800000> : vector<32x512xf32>
    %reduce_max3A_103 = vector.multi_reduction <maximumf>, %reshape3A_102, %reduce_max3A [0] : vector<20x32x512xf32> to vector<32x512xf32>
    %reduce_min3A = arith.constant dense<0x7F800000> : vector<32x512xf32>
    %reduce_min3A_104 = vector.multi_reduction <minimumf>, %reshape3A_102, %reduce_min3A [0] : vector<20x32x512xf32> to vector<32x512xf32>
    %slice3A_105 = vector.extract_strided_slice %reduce_max3A_103 {offsets = [0, 0], sizes = [32, 64], strides = [1, 1]} : vector<32x512xf32> to vector<32x64xf32>
    %swap3A = arith.constant 0 : index
    %swap3A_106 = arith.constant 0 : index
    %swap3A_107 = arith.constant 0 : index
    %swap3A_108 = arith.constant 0 : index
    %swap3A_109 = vector.load %arg12[%swap3A, %swap3A_106, %swap3A_107, %swap3A_108] : memref<1x8x32x64xf32, #tpu.memory_space<vmem>>, vector<1x1x32x64xf32>
    %swap3A_110 = vector.shape_cast %swap3A_109 : vector<1x1x32x64xf32> to vector<32x64xf32>
    %swap3A_111 = vector.shape_cast %slice3A_105 : vector<32x64xf32> to vector<1x1x32x64xf32>
    tpu.vector_store %arg12[%swap3A, %swap3A_106, %swap3A_107, %swap3A_108], %swap3A_111 {strides = array<i32>} : memref<1x8x32x64xf32, #tpu.memory_space<vmem>>, vector<1x1x32x64xf32>,
    %slice3A_112 = vector.extract_strided_slice %reduce_min3A_104 {offsets = [0, 0], sizes = [32, 64], strides = [1, 1]} : vector<32x512xf32> to vector<32x64xf32>
    %swap3A_113 = arith.constant 0 : index
    %swap3A_114 = arith.constant 0 : index
    %swap3A_115 = arith.constant 0 : index
    %swap3A_116 = arith.constant 0 : index
    %swap3A_117 = vector.load %arg13[%swap3A_113, %swap3A_114, %swap3A_115, %swap3A_116] : memref<1x8x32x64xf32, #tpu.memory_space<vmem>>, vector<1x1x32x64xf32>
    %swap3A_118 = vector.shape_cast %swap3A_117 : vector<1x1x32x64xf32> to vector<32x64xf32>
    %swap3A_119 = vector.shape_cast %slice3A_112 : vector<32x64xf32> to vector<1x1x32x64xf32>
    tpu.vector_store %arg13[%swap3A_113, %swap3A_114, %swap3A_115, %swap3A_116], %swap3A_119 {strides = array<i32>} : memref<1x8x32x64xf32, #tpu.memory_space<vmem>>, vector<1x1x32x64xf32>,
    %slice3A_120 = vector.extract_strided_slice %reduce_max3A_103 {offsets = [0, 64], sizes = [32, 64], strides = [1, 1]} : vector<32x512xf32> to vector<32x64xf32>
    %swap3A_121 = arith.constant 0 : index
    %swap3A_122 = arith.constant 1 : index
    %swap3A_123 = arith.constant 0 : index
    %swap3A_124 = arith.constant 0 : index
    %swap3A_125 = vector.load %arg12[%swap3A_121, %swap3A_122, %swap3A_123, %swap3A_124] : memref<1x8x32x64xf32, #tpu.memory_space<vmem>>, vector<1x1x32x64xf32>
    %swap3A_126 = vector.shape_cast %swap3A_125 : vector<1x1x32x64xf32> to vector<32x64xf32>
    %swap3A_127 = vector.shape_cast %slice3A_120 : vector<32x64xf32> to vector<1x1x32x64xf32>
    tpu.vector_store %arg12[%swap3A_121, %swap3A_122, %swap3A_123, %swap3A_124], %swap3A_127 {strides = array<i32>} : memref<1x8x32x64xf32, #tpu.memory_space<vmem>>, vector<1x1x32x64xf32>,
    %slice3A_128 = vector.extract_strided_slice %reduce_min3A_104 {offsets = [0, 64], sizes = [32, 64], strides = [1, 1]} : vector<32x512xf32> to vector<32x64xf32>
    %swap3A_129 = arith.constant 0 : index
    %swap3A_130 = arith.constant 1 : index
    %swap3A_131 = arith.constant 0 : index
    %swap3A_132 = arith.constant 0 : index
    %swap3A_133 = vector.load %arg13[%swap3A_129, %swap3A_130, %swap3A_131, %swap3A_132] : memref<1x8x32x64xf32, #tpu.memory_space<vmem>>, vector<1x1x32x64xf32>
    %swap3A_134 = vector.shape_cast %swap3A_133 : vector<1x1x32x64xf32> to vector<32x64xf32>
    %swap3A_135 = vector.shape_cast %slice3A_128 : vector<32x64xf32> to vector<1x1x32x64xf32>
    tpu.vector_store %arg13[%swap3A_129, %swap3A_130, %swap3A_131, %swap3A_132], %swap3A_135 {strides = array<i32>} : memref<1x8x32x64xf32, #tpu.memory_space<vmem>>, vector<1x1x32x64xf32>,
    %slice3A_136 = vector.extract_strided_slice %reduce_max3A_103 {offsets = [0, 128], sizes = [32, 64], strides = [1, 1]} : vector<32x512xf32> to vector<32x64xf32>
    %swap3A_137 = arith.constant 0 : index
    %swap3A_138 = arith.constant 2 : index
    %swap3A_139 = arith.constant 0 : index
    %swap3A_140 = arith.constant 0 : index
    %swap3A_141 = vector.load %arg12[%swap3A_137, %swap3A_138, %swap3A_139, %swap3A_140] : memref<1x8x32x64xf32, #tpu.memory_space<vmem>>, vector<1x1x32x64xf32>
    %swap3A_142 = vector.shape_cast %swap3A_141 : vector<1x1x32x64xf32> to vector<32x64xf32>
    %swap3A_143 = vector.shape_cast %slice3A_136 : vector<32x64xf32> to vector<1x1x32x64xf32>
    tpu.vector_store %arg12[%swap3A_137, %swap3A_138, %swap3A_139, %swap3A_140], %swap3A_143 {strides = array<i32>} : memref<1x8x32x64xf32, #tpu.memory_space<vmem>>, vector<1x1x32x64xf32>,
    %slice3A_144 = vector.extract_strided_slice %reduce_min3A_104 {offsets = [0, 128], sizes = [32, 64], strides = [1, 1]} : vector<32x512xf32> to vector<32x64xf32>
    %swap3A_145 = arith.constant 0 : index
    %swap3A_146 = arith.constant 2 : index
    %swap3A_147 = arith.constant 0 : index
    %swap3A_148 = arith.constant 0 : index
    %swap3A_149 = vector.load %arg13[%swap3A_145, %swap3A_146, %swap3A_147, %swap3A_148] : memref<1x8x32x64xf32, #tpu.memory_space<vmem>>, vector<1x1x32x64xf32>
    %swap3A_150 = vector.shape_cast %swap3A_149 : vector<1x1x32x64xf32> to vector<32x64xf32>
    %swap3A_151 = vector.shape_cast %slice3A_144 : vector<32x64xf32> to vector<1x1x32x64xf32>
    tpu.vector_store %arg13[%swap3A_145, %swap3A_146, %swap3A_147, %swap3A_148], %swap3A_151 {strides = array<i32>} : memref<1x8x32x64xf32, #tpu.memory_space<vmem>>, vector<1x1x32x64xf32>,
    %slice3A_152 = vector.extract_strided_slice %reduce_max3A_103 {offsets = [0, 192], sizes = [32, 64], strides = [1, 1]} : vector<32x512xf32> to vector<32x64xf32>
    %swap3A_153 = arith.constant 0 : index
    %swap3A_154 = arith.constant 3 : index
    %swap3A_155 = arith.constant 0 : index
    %swap3A_156 = arith.constant 0 : index
    %swap3A_157 = vector.load %arg12[%swap3A_153, %swap3A_154, %swap3A_155, %swap3A_156] : memref<1x8x32x64xf32, #tpu.memory_space<vmem>>, vector<1x1x32x64xf32>
    %swap3A_158 = vector.shape_cast %swap3A_157 : vector<1x1x32x64xf32> to vector<32x64xf32>
    %swap3A_159 = vector.shape_cast %slice3A_152 : vector<32x64xf32> to vector<1x1x32x64xf32>
    tpu.vector_store %arg12[%swap3A_153, %swap3A_154, %swap3A_155, %swap3A_156], %swap3A_159 {strides = array<i32>} : memref<1x8x32x64xf32, #tpu.memory_space<vmem>>, vector<1x1x32x64xf32>,
    %slice3A_160 = vector.extract_strided_slice %reduce_min3A_104 {offsets = [0, 192], sizes = [32, 64], strides = [1, 1]} : vector<32x512xf32> to vector<32x64xf32>
    %swap3A_161 = arith.constant 0 : index
    %swap3A_162 = arith.constant 3 : index
    %swap3A_163 = arith.constant 0 : index
    %swap3A_164 = arith.constant 0 : index
    %swap3A_165 = vector.load %arg13[%swap3A_161, %swap3A_162, %swap3A_163, %swap3A_164] : memref<1x8x32x64xf32, #tpu.memory_space<vmem>>, vector<1x1x32x64xf32>
    %swap3A_166 = vector.shape_cast %swap3A_165 : vector<1x1x32x64xf32> to vector<32x64xf32>
    %swap3A_167 = vector.shape_cast %slice3A_160 : vector<32x64xf32> to vector<1x1x32x64xf32>
    tpu.vector_store %arg13[%swap3A_161, %swap3A_162, %swap3A_163, %swap3A_164], %swap3A_167 {strides = array<i32>} : memref<1x8x32x64xf32, #tpu.memory_space<vmem>>, vector<1x1x32x64xf32>,
    %slice3A_168 = vector.extract_strided_slice %reduce_max3A_103 {offsets = [0, 256], sizes = [32, 64], strides = [1, 1]} : vector<32x512xf32> to vector<32x64xf32>
    %swap3A_169 = arith.constant 0 : index
    %swap3A_170 = arith.constant 4 : index
    %swap3A_171 = arith.constant 0 : index
    %swap3A_172 = arith.constant 0 : index
    %swap3A_173 = vector.load %arg12[%swap3A_169, %swap3A_170, %swap3A_171, %swap3A_172] : memref<1x8x32x64xf32, #tpu.memory_space<vmem>>, vector<1x1x32x64xf32>
    %swap3A_174 = vector.shape_cast %swap3A_173 : vector<1x1x32x64xf32> to vector<32x64xf32>
    %swap3A_175 = vector.shape_cast %slice3A_168 : vector<32x64xf32> to vector<1x1x32x64xf32>
    tpu.vector_store %arg12[%swap3A_169, %swap3A_170, %swap3A_171, %swap3A_172], %swap3A_175 {strides = array<i32>} : memref<1x8x32x64xf32, #tpu.memory_space<vmem>>, vector<1x1x32x64xf32>,
    %slice3A_176 = vector.extract_strided_slice %reduce_min3A_104 {offsets = [0, 256], sizes = [32, 64], strides = [1, 1]} : vector<32x512xf32> to vector<32x64xf32>
    %swap3A_177 = arith.constant 0 : index
    %swap3A_178 = arith.constant 4 : index
    %swap3A_179 = arith.constant 0 : index
    %swap3A_180 = arith.constant 0 : index
    %swap3A_181 = vector.load %arg13[%swap3A_177, %swap3A_178, %swap3A_179, %swap3A_180] : memref<1x8x32x64xf32, #tpu.memory_space<vmem>>, vector<1x1x32x64xf32>
    %swap3A_182 = vector.shape_cast %swap3A_181 : vector<1x1x32x64xf32> to vector<32x64xf32>
    %swap3A_183 = vector.shape_cast %slice3A_176 : vector<32x64xf32> to vector<1x1x32x64xf32>
    tpu.vector_store %arg13[%swap3A_177, %swap3A_178, %swap3A_179, %swap3A_180], %swap3A_183 {strides = array<i32>} : memref<1x8x32x64xf32, #tpu.memory_space<vmem>>, vector<1x1x32x64xf32>,
    %slice3A_184 = vector.extract_strided_slice %reduce_max3A_103 {offsets = [0, 320], sizes = [32, 64], strides = [1, 1]} : vector<32x512xf32> to vector<32x64xf32>
    %swap3A_185 = arith.constant 0 : index
    %swap3A_186 = arith.constant 5 : index
    %swap3A_187 = arith.constant 0 : index
    %swap3A_188 = arith.constant 0 : index
    %swap3A_189 = vector.load %arg12[%swap3A_185, %swap3A_186, %swap3A_187, %swap3A_188] : memref<1x8x32x64xf32, #tpu.memory_space<vmem>>, vector<1x1x32x64xf32>
    %swap3A_190 = vector.shape_cast %swap3A_189 : vector<1x1x32x64xf32> to vector<32x64xf32>
    %swap3A_191 = vector.shape_cast %slice3A_184 : vector<32x64xf32> to vector<1x1x32x64xf32>
    tpu.vector_store %arg12[%swap3A_185, %swap3A_186, %swap3A_187, %swap3A_188], %swap3A_191 {strides = array<i32>} : memref<1x8x32x64xf32, #tpu.memory_space<vmem>>, vector<1x1x32x64xf32>,
    %slice3A_192 = vector.extract_strided_slice %reduce_min3A_104 {offsets = [0, 320], sizes = [32, 64], strides = [1, 1]} : vector<32x512xf32> to vector<32x64xf32>
    %swap3A_193 = arith.constant 0 : index
    %swap3A_194 = arith.constant 5 : index
    %swap3A_195 = arith.constant 0 : index
    %swap3A_196 = arith.constant 0 : index
    %swap3A_197 = vector.load %arg13[%swap3A_193, %swap3A_194, %swap3A_195, %swap3A_196] : memref<1x8x32x64xf32, #tpu.memory_space<vmem>>, vector<1x1x32x64xf32>
    %swap3A_198 = vector.shape_cast %swap3A_197 : vector<1x1x32x64xf32> to vector<32x64xf32>
    %swap3A_199 = vector.shape_cast %slice3A_192 : vector<32x64xf32> to vector<1x1x32x64xf32>
    tpu.vector_store %arg13[%swap3A_193, %swap3A_194, %swap3A_195, %swap3A_196], %swap3A_199 {strides = array<i32>} : memref<1x8x32x64xf32, #tpu.memory_space<vmem>>, vector<1x1x32x64xf32>,
    %slice3A_200 = vector.extract_strided_slice %reduce_max3A_103 {offsets = [0, 384], sizes = [32, 64], strides = [1, 1]} : vector<32x512xf32> to vector<32x64xf32>
    %swap3A_201 = arith.constant 0 : index
    %swap3A_202 = arith.constant 6 : index
    %swap3A_203 = arith.constant 0 : index
    %swap3A_204 = arith.constant 0 : index
    %swap3A_205 = vector.load %arg12[%swap3A_201, %swap3A_202, %swap3A_203, %swap3A_204] : memref<1x8x32x64xf32, #tpu.memory_space<vmem>>, vector<1x1x32x64xf32>
    %swap3A_206 = vector.shape_cast %swap3A_205 : vector<1x1x32x64xf32> to vector<32x64xf32>
    %swap3A_207 = vector.shape_cast %slice3A_200 : vector<32x64xf32> to vector<1x1x32x64xf32>
    tpu.vector_store %arg12[%swap3A_201, %swap3A_202, %swap3A_203, %swap3A_204], %swap3A_207 {strides = array<i32>} : memref<1x8x32x64xf32, #tpu.memory_space<vmem>>, vector<1x1x32x64xf32>,
    %slice3A_208 = vector.extract_strided_slice %reduce_min3A_104 {offsets = [0, 384], sizes = [32, 64], strides = [1, 1]} : vector<32x512xf32> to vector<32x64xf32>
    %swap3A_209 = arith.constant 0 : index
    %swap3A_210 = arith.constant 6 : index
    %swap3A_211 = arith.constant 0 : index
    %swap3A_212 = arith.constant 0 : index
    %swap3A_213 = vector.load %arg13[%swap3A_209, %swap3A_210, %swap3A_211, %swap3A_212] : memref<1x8x32x64xf32, #tpu.memory_space<vmem>>, vector<1x1x32x64xf32>
    %swap3A_214 = vector.shape_cast %swap3A_213 : vector<1x1x32x64xf32> to vector<32x64xf32>
    %swap3A_215 = vector.shape_cast %slice3A_208 : vector<32x64xf32> to vector<1x1x32x64xf32>
    tpu.vector_store %arg13[%swap3A_209, %swap3A_210, %swap3A_211, %swap3A_212], %swap3A_215 {strides = array<i32>} : memref<1x8x32x64xf32, #tpu.memory_space<vmem>>, vector<1x1x32x64xf32>,
    %slice3A_216 = vector.extract_strided_slice %reduce_max3A_103 {offsets = [0, 448], sizes = [32, 64], strides = [1, 1]} : vector<32x512xf32> to vector<32x64xf32>
    %swap3A_217 = arith.constant 0 : index
    %swap3A_218 = arith.constant 7 : index
    %swap3A_219 = arith.constant 0 : index
    %swap3A_220 = arith.constant 0 : index
    %swap3A_221 = vector.load %arg12[%swap3A_217, %swap3A_218, %swap3A_219, %swap3A_220] : memref<1x8x32x64xf32, #tpu.memory_space<vmem>>, vector<1x1x32x64xf32>
    %swap3A_222 = vector.shape_cast %swap3A_221 : vector<1x1x32x64xf32> to vector<32x64xf32>
    %swap3A_223 = vector.shape_cast %slice3A_216 : vector<32x64xf32> to vector<1x1x32x64xf32>
    tpu.vector_store %arg12[%swap3A_217, %swap3A_218, %swap3A_219, %swap3A_220], %swap3A_223 {strides = array<i32>} : memref<1x8x32x64xf32, #tpu.memory_space<vmem>>, vector<1x1x32x64xf32>,
    %slice3A_224 = vector.extract_strided_slice %reduce_min3A_104 {offsets = [0, 448], sizes = [32, 64], strides = [1, 1]} : vector<32x512xf32> to vector<32x64xf32>
    %swap3A_225 = arith.constant 0 : index
    %swap3A_226 = arith.constant 7 : index
    %swap3A_227 = arith.constant 0 : index
    %swap3A_228 = arith.constant 0 : index
    %swap3A_229 = vector.load %arg13[%swap3A_225, %swap3A_226, %swap3A_227, %swap3A_228] : memref<1x8x32x64xf32, #tpu.memory_space<vmem>>, vector<1x1x32x64xf32>
    %swap3A_230 = vector.shape_cast %swap3A_229 : vector<1x1x32x64xf32> to vector<32x64xf32>
    %swap3A_231 = vector.shape_cast %slice3A_224 : vector<32x64xf32> to vector<1x1x32x64xf32>
    tpu.vector_store %arg13[%swap3A_225, %swap3A_226, %swap3A_227, %swap3A_228], %swap3A_231 {strides = array<i32>} : memref<1x8x32x64xf32, #tpu.memory_space<vmem>>, vector<1x1x32x64xf32>,
    %eq3A = arith.constant 0 : i32
    %eq3A_232 = arith.cmpi eq, %arg1, %eq3A : i32
    %convert_element_type3A = arith.extui %eq3A_232 : i1 to i32
    %cond3A = arith.constant 0 : i32
    %cond3A_233 = arith.cmpi ne, %convert_element_type3A, %cond3A : i32
    scf.if %cond3A_233 {
      %broadcast_in_dim3A_239 = vector.shape_cast %add3A_83 : vector<64xf32> to vector<1x64xf32>
      %swap3A_240 = arith.index_cast %arg0 : i32 to index
      %swap3A_241 = arith.constant 0 : index
      %swap3A_242 = vector.load %arg10[%swap3A_240, %swap3A_241] : memref<8x64xf32, #tpu.memory_space<vmem>>, vector<1x64xf32>
      tpu.vector_store %arg10[%swap3A_240, %swap3A_241], %broadcast_in_dim3A_239 {strides = array<i32>} : memref<8x64xf32, #tpu.memory_space<vmem>>, vector<1x64xf32>,
      %broadcast_in_dim3A_243 = vector.shape_cast %add3A_101 : vector<64xf32> to vector<1x64xf32>
      %swap3A_244 = arith.index_cast %arg0 : i32 to index
      %swap3A_245 = arith.constant 0 : index
      %swap3A_246 = vector.load %arg11[%swap3A_244, %swap3A_245] : memref<8x64xf32, #tpu.memory_space<vmem>>, vector<1x64xf32>
      tpu.vector_store %arg11[%swap3A_244, %swap3A_245], %broadcast_in_dim3A_243 {strides = array<i32>} : memref<8x64xf32, #tpu.memory_space<vmem>>, vector<1x64xf32>,
    } else {
    }
    %gt3A_234 = arith.constant 0 : i32
    %gt3A_235 = arith.cmpi sgt, %arg1, %gt3A_234 : i32
    %convert_element_type3A_236 = arith.extui %gt3A_235 : i1 to i32
    %cond3A_237 = arith.constant 0 : i32
    %cond3A_238 = arith.cmpi ne, %convert_element_type3A_236, %cond3A_237 : i32
    scf.if %cond3A_238 {
      %get3A_239 = arith.index_cast %arg0 : i32 to index
      %get3A_240 = arith.constant 0 : index
      %get3A_241 = vector.load %arg10[%get3A_239, %get3A_240] : memref<8x64xf32, #tpu.memory_space<vmem>>, vector<1x64xf32>
      %broadcast_in_dim3A_242 = vector.shape_cast %add3A_83 : vector<64xf32> to vector<1x64xf32>
      %add3A_243 = arith.addf %get3A_241, %broadcast_in_dim3A_242 : vector<1x64xf32>
      %swap3A_244 = arith.index_cast %arg0 : i32 to index
      %swap3A_245 = arith.constant 0 : index
      %swap3A_246 = vector.load %arg10[%swap3A_244, %swap3A_245] : memref<8x64xf32, #tpu.memory_space<vmem>>, vector<1x64xf32>
      tpu.vector_store %arg10[%swap3A_244, %swap3A_245], %add3A_243 {strides = array<i32>} : memref<8x64xf32, #tpu.memory_space<vmem>>, vector<1x64xf32>,
      %get3A_247 = arith.index_cast %arg0 : i32 to index
      %get3A_248 = arith.constant 0 : index
      %get3A_249 = vector.load %arg11[%get3A_247, %get3A_248] : memref<8x64xf32, #tpu.memory_space<vmem>>, vector<1x64xf32>
      %broadcast_in_dim3A_250 = vector.shape_cast %add3A_101 : vector<64xf32> to vector<1x64xf32>
      %add3A_251 = arith.addf %get3A_249, %broadcast_in_dim3A_250 : vector<1x64xf32>
      %swap3A_252 = arith.index_cast %arg0 : i32 to index
      %swap3A_253 = arith.constant 0 : index
      %swap3A_254 = vector.load %arg11[%swap3A_252, %swap3A_253] : memref<8x64xf32, #tpu.memory_space<vmem>>, vector<1x64xf32>
      tpu.vector_store %arg11[%swap3A_252, %swap3A_253], %add3A_251 {strides = array<i32>} : memref<8x64xf32, #tpu.memory_space<vmem>>, vector<1x64xf32>,
    } else {
    }
    return
  }
  func.func @transform_0(%arg0: i32, %arg1: i32) -> (i32, i32, i32, i32) {
    %c0_i32 = arith.constant 0 : i32
    %c0_i32_0 = arith.constant 0 : i32
    %c0_i32_1 = arith.constant 0 : i32
    return %c0_i32, %arg0, %arg1, %c0_i32_0 : i32, i32, i32, i32
  }
  func.func @transform_1(%arg0: i32, %arg1: i32) -> (i32, i32, i32) {
    %c0_i32 = arith.constant 0 : i32
    %c0_i32_0 = arith.constant 0 : i32
    return %arg0, %arg1, %c0_i32 : i32, i32, i32
  }
  func.func @transform_2(%arg0: i32, %arg1: i32) -> (i32, i32) {
    %c0_i32 = arith.constant 0 : i32
    %c0_i32_0 = arith.constant 0 : i32
    %c0_i32_1 = arith.constant 0 : i32
    return %c0_i32, %c0_i32_0 : i32, i32
  }
  func.func @transform_3(%arg0: i32, %arg1: i32) -> (i32, i32) {
    %c0_i32 = arith.constant 0 : i32
    %c0_i32_0 = arith.constant 0 : i32
    %c0_i32_1 = arith.constant 0 : i32
    return %c0_i32, %c0_i32_0 : i32, i32
  }
  func.func @transform_4(%arg0: i32, %arg1: i32) -> (i32, i32) {
    %c0_i32 = arith.constant 0 : i32
    %c0_i32_0 = arith.constant 0 : i32
    %c0_i32_1 = arith.constant 0 : i32
    return %c0_i32, %c0_i32_0 : i32, i32
  }
  func.func @transform_5(%arg0: i32, %arg1: i32) -> (i32, i32) {
    %c0_i32 = arith.constant 0 : i32
    %c0_i32_0 = arith.constant 0 : i32
    %c0_i32_1 = arith.constant 0 : i32
    return %c0_i32, %c0_i32_0 : i32, i32
  }
  func.func @transform_6(%arg0: i32, %arg1: i32) -> (i32, i32) {
    %c0_i32 = arith.constant 0 : i32
    %c0_i32_0 = arith.constant 0 : i32
    %c0_i32_1 = arith.constant 0 : i32
    return %c0_i32, %c0_i32_0 : i32, i32
  }
  func.func @transform_7(%arg0: i32, %arg1: i32) -> (i32, i32) {
    %c0_i32 = arith.constant 0 : i32
    %c0_i32_0 = arith.constant 0 : i32
    %c0_i32_1 = arith.constant 0 : i32
    return %c0_i32, %c0_i32_0 : i32, i32
  }
  func.func @transform_8(%arg0: i32, %arg1: i32) -> (i32, i32) {
    %c0_i32 = arith.constant 0 : i32
    %c0_i32_0 = arith.constant 0 : i32
    %c0_i32_1 = arith.constant 0 : i32
    return %c0_i32, %c0_i32_0 : i32, i32
  }
  func.func @transform_9(%arg0: i32, %arg1: i32) -> (i32, i32) {
    %c0_i32 = arith.constant 0 : i32
    %c0_i32_0 = arith.constant 0 : i32
    %c0_i32_1 = arith.constant 0 : i32
    return %c0_i32, %c0_i32_0 : i32, i32
  }
  func.func @transform_10(%arg0: i32, %arg1: i32) -> (i32, i32, i32, i32) {
    %c0_i32 = arith.constant 0 : i32
    %c0_i32_0 = arith.constant 0 : i32
    %c0_i32_1 = arith.constant 0 : i32
    return %arg0, %c0_i32, %arg1, %c0_i32_0 : i32, i32, i32, i32
  }
  func.func @transform_11(%arg0: i32, %arg1: i32) -> (i32, i32, i32, i32) {
    %c0_i32 = arith.constant 0 : i32
    %c0_i32_0 = arith.constant 0 : i32
    %c0_i32_1 = arith.constant 0 : i32
    return %arg0, %c0_i32, %arg1, %c0_i32_0 : i32, i32, i32, i32
  }
}

module attributes {stable_mosaic.version = 14 : i64} {
  func.func @_final_body(%arg0: i32, %arg1: memref<1x8x256x64xf32, #tpu.memory_space<vmem>>, %arg2: memref<1x8x256x64xf32, #tpu.memory_space<vmem>>, %arg3: memref<2x64xf32, #tpu.memory_space<vmem>>, %arg4: memref<8x64xf32, #tpu.memory_space<vmem>>, %arg5: memref<8x64xf32, #tpu.memory_space<vmem>>, %arg6: memref<1x64x2048xf32, #tpu.memory_space<vmem>>) attributes {dimension_semantics = [#tpu.dimension_semantics<arbitrary>], iteration_bounds = array<i64: 8>, scalar_prefetch = 0 : i64, scratch_operands = 0 : i64, tpu.core_type = #tpu.core_type<tc>, window_params = [{transform_indices = @transform_0, window_bounds = array<i64: 1, 8, 256, 64>}, {transform_indices = @transform_1, window_bounds = array<i64: 1, 8, 256, 64>}, {pipeline_mode = #tpu.pipeline_mode<synchronous>, transform_indices = @transform_2, window_bounds = array<i64: 2, 64>}, {pipeline_mode = #tpu.pipeline_mode<synchronous>, transform_indices = @transform_3, window_bounds = array<i64: 8, 64>}, {pipeline_mode = #tpu.pipeline_mode<synchronous>, transform_indices = @transform_4, window_bounds = array<i64: 8, 64>}, {transform_indices = @transform_5, window_bounds = array<i64: 1, 64, 2048>}]} {
    %get3A = arith.constant 0 : index
    %get3A_0 = arith.constant 0 : index
    %get3A_1 = vector.load %arg4[%get3A, %get3A_0] : memref<8x64xf32, #tpu.memory_space<vmem>>, vector<8x64xf32>
    %reduce_sum3A = arith.constant dense<0.000000e+00> : vector<64xf32>
    %reduce_sum3A_2 = vector.multi_reduction <add>, %get3A_1, %reduce_sum3A [0] : vector<8x64xf32> to vector<64xf32>
    %mul3A = arith.constant 3.05175786E-6 : f32
    %mul3A_3 = vector.broadcast %mul3A : f32 to vector<64xf32>
    %mul3A_4 = arith.mulf %reduce_sum3A_2, %mul3A_3 : vector<64xf32>
    %get3A_5 = arith.constant 0 : index
    %get3A_6 = arith.constant 0 : index
    %get3A_7 = vector.load %arg5[%get3A_5, %get3A_6] : memref<8x64xf32, #tpu.memory_space<vmem>>, vector<8x64xf32>
    %reduce_sum3A_8 = arith.constant dense<0.000000e+00> : vector<64xf32>
    %reduce_sum3A_9 = vector.multi_reduction <add>, %get3A_7, %reduce_sum3A_8 [0] : vector<8x64xf32> to vector<64xf32>
    %mul3A_10 = arith.constant 3.05175786E-6 : f32
    %mul3A_11 = vector.broadcast %mul3A_10 : f32 to vector<64xf32>
    %mul3A_12 = arith.mulf %reduce_sum3A_9, %mul3A_11 : vector<64xf32>
    %mul3A_13 = arith.mulf %mul3A_4, %mul3A_4 : vector<64xf32>
    %sub3A = arith.subf %mul3A_12, %mul3A_13 : vector<64xf32>
    %get3A_14 = arith.constant 0 : index
    %get3A_15 = arith.constant 0 : index
    %get3A_16 = vector.load %arg3[%get3A_14, %get3A_15] : memref<2x64xf32, #tpu.memory_space<vmem>>, vector<1x64xf32>
    %get3A_17 = vector.shape_cast %get3A_16 : vector<1x64xf32> to vector<64xf32>
    %add3A = arith.constant 9.99999974E-6 : f32
    %add3A_18 = vector.broadcast %add3A : f32 to vector<64xf32>
    %add3A_19 = arith.addf %sub3A, %add3A_18 : vector<64xf32>
    %rsqrt3A = math.rsqrt %add3A_19 : vector<64xf32>
    %mul3A_20 = arith.mulf %get3A_17, %rsqrt3A : vector<64xf32>
    %get3A_21 = arith.constant 1 : index
    %get3A_22 = arith.constant 0 : index
    %get3A_23 = vector.load %arg3[%get3A_21, %get3A_22] : memref<2x64xf32, #tpu.memory_space<vmem>>, vector<1x64xf32>
    %get3A_24 = vector.shape_cast %get3A_23 : vector<1x64xf32> to vector<64xf32>
    %mul3A_25 = arith.mulf %mul3A_4, %mul3A_20 : vector<64xf32>
    %sub3A_26 = arith.subf %get3A_24, %mul3A_25 : vector<64xf32>
    %get3A_27 = arith.constant 0 : index
    %get3A_28 = arith.constant 0 : index
    %get3A_29 = arith.constant 0 : index
    %get3A_30 = arith.constant 0 : index
    %get3A_31 = vector.load %arg1[%get3A_27, %get3A_28, %get3A_29, %get3A_30] : memref<1x8x256x64xf32, #tpu.memory_space<vmem>>, vector<1x8x256x64xf32>
    %get3A_32 = vector.shape_cast %get3A_31 : vector<1x8x256x64xf32> to vector<8x256x64xf32>
    %get3A_33 = arith.constant 0 : index
    %get3A_34 = arith.constant 0 : index
    %get3A_35 = arith.constant 0 : index
    %get3A_36 = arith.constant 0 : index
    %get3A_37 = vector.load %arg2[%get3A_33, %get3A_34, %get3A_35, %get3A_36] : memref<1x8x256x64xf32, #tpu.memory_space<vmem>>, vector<1x8x256x64xf32>
    %get3A_38 = vector.shape_cast %get3A_37 : vector<1x8x256x64xf32> to vector<8x256x64xf32>
    %broadcast_in_dim3A = vector.shape_cast %mul3A_20 : vector<64xf32> to vector<1x1x64xf32>
    %mul3A_39 = vector.broadcast %broadcast_in_dim3A : vector<1x1x64xf32> to vector<8x256x64xf32>
    %mul3A_40 = arith.mulf %mul3A_39, %get3A_32 : vector<8x256x64xf32>
    %mul3A_41 = vector.broadcast %broadcast_in_dim3A : vector<1x1x64xf32> to vector<8x256x64xf32>
    %mul3A_42 = arith.mulf %mul3A_41, %get3A_38 : vector<8x256x64xf32>
    %max3A = arith.maximumf %mul3A_40, %mul3A_42 : vector<8x256x64xf32>
    %broadcast_in_dim3A_43 = vector.shape_cast %sub3A_26 : vector<64xf32> to vector<1x1x64xf32>
    %add3A_44 = vector.broadcast %broadcast_in_dim3A_43 : vector<1x1x64xf32> to vector<8x256x64xf32>
    %add3A_45 = arith.addf %max3A, %add3A_44 : vector<8x256x64xf32>
    %gt3A = arith.constant 0.000000e+00 : f32
    %gt3A_46 = vector.broadcast %gt3A : f32 to vector<8x256x64xf32>
    %gt3A_47 = arith.cmpf ogt, %add3A_45, %gt3A_46 : vector<8x256x64xf32>
    %mul3A_48 = arith.constant 2.000000e-01 : f32
    %mul3A_49 = vector.broadcast %mul3A_48 : f32 to vector<8x256x64xf32>
    %mul3A_50 = arith.mulf %mul3A_49, %add3A_45 : vector<8x256x64xf32>
    %select_n3A = arith.select %gt3A_47, %add3A_45, %mul3A_50 : vector<8x256x64xi1>, vector<8x256x64xf32>
    %slice3A = vector.extract_strided_slice %select_n3A {offsets = [0, 0, 0], sizes = [1, 256, 64], strides = [1, 1, 1]} : vector<8x256x64xf32> to vector<1x256x64xf32>
    %squeeze3A = vector.shape_cast %slice3A : vector<1x256x64xf32> to vector<256x64xf32>
    %transpose3A = tpu.transpose %squeeze3A, [1, 0] : vector<256x64xf32> -> vector<64x256xf32>
    %swap3A = arith.constant 0 : index
    %swap3A_51 = arith.constant 0 : index
    %swap3A_52 = arith.constant 0 : index
    %swap3A_53 = vector.load %arg6[%swap3A, %swap3A_51, %swap3A_52] : memref<1x64x2048xf32, #tpu.memory_space<vmem>>, vector<1x64x256xf32>
    %swap3A_54 = vector.shape_cast %swap3A_53 : vector<1x64x256xf32> to vector<64x256xf32>
    %swap3A_55 = vector.shape_cast %transpose3A : vector<64x256xf32> to vector<1x64x256xf32>
    tpu.vector_store %arg6[%swap3A, %swap3A_51, %swap3A_52], %swap3A_55 {strides = array<i32>} : memref<1x64x2048xf32, #tpu.memory_space<vmem>>, vector<1x64x256xf32>,
    %slice3A_56 = vector.extract_strided_slice %select_n3A {offsets = [1, 0, 0], sizes = [1, 256, 64], strides = [1, 1, 1]} : vector<8x256x64xf32> to vector<1x256x64xf32>
    %squeeze3A_57 = vector.shape_cast %slice3A_56 : vector<1x256x64xf32> to vector<256x64xf32>
    %transpose3A_58 = tpu.transpose %squeeze3A_57, [1, 0] : vector<256x64xf32> -> vector<64x256xf32>
    %swap3A_59 = arith.constant 0 : index
    %swap3A_60 = arith.constant 0 : index
    %swap3A_61 = arith.constant 256 : index
    %swap3A_62 = vector.load %arg6[%swap3A_59, %swap3A_60, %swap3A_61] : memref<1x64x2048xf32, #tpu.memory_space<vmem>>, vector<1x64x256xf32>
    %swap3A_63 = vector.shape_cast %swap3A_62 : vector<1x64x256xf32> to vector<64x256xf32>
    %swap3A_64 = vector.shape_cast %transpose3A_58 : vector<64x256xf32> to vector<1x64x256xf32>
    tpu.vector_store %arg6[%swap3A_59, %swap3A_60, %swap3A_61], %swap3A_64 {strides = array<i32>} : memref<1x64x2048xf32, #tpu.memory_space<vmem>>, vector<1x64x256xf32>,
    %slice3A_65 = vector.extract_strided_slice %select_n3A {offsets = [2, 0, 0], sizes = [1, 256, 64], strides = [1, 1, 1]} : vector<8x256x64xf32> to vector<1x256x64xf32>
    %squeeze3A_66 = vector.shape_cast %slice3A_65 : vector<1x256x64xf32> to vector<256x64xf32>
    %transpose3A_67 = tpu.transpose %squeeze3A_66, [1, 0] : vector<256x64xf32> -> vector<64x256xf32>
    %swap3A_68 = arith.constant 0 : index
    %swap3A_69 = arith.constant 0 : index
    %swap3A_70 = arith.constant 512 : index
    %swap3A_71 = vector.load %arg6[%swap3A_68, %swap3A_69, %swap3A_70] : memref<1x64x2048xf32, #tpu.memory_space<vmem>>, vector<1x64x256xf32>
    %swap3A_72 = vector.shape_cast %swap3A_71 : vector<1x64x256xf32> to vector<64x256xf32>
    %swap3A_73 = vector.shape_cast %transpose3A_67 : vector<64x256xf32> to vector<1x64x256xf32>
    tpu.vector_store %arg6[%swap3A_68, %swap3A_69, %swap3A_70], %swap3A_73 {strides = array<i32>} : memref<1x64x2048xf32, #tpu.memory_space<vmem>>, vector<1x64x256xf32>,
    %slice3A_74 = vector.extract_strided_slice %select_n3A {offsets = [3, 0, 0], sizes = [1, 256, 64], strides = [1, 1, 1]} : vector<8x256x64xf32> to vector<1x256x64xf32>
    %squeeze3A_75 = vector.shape_cast %slice3A_74 : vector<1x256x64xf32> to vector<256x64xf32>
    %transpose3A_76 = tpu.transpose %squeeze3A_75, [1, 0] : vector<256x64xf32> -> vector<64x256xf32>
    %swap3A_77 = arith.constant 0 : index
    %swap3A_78 = arith.constant 0 : index
    %swap3A_79 = arith.constant 768 : index
    %swap3A_80 = vector.load %arg6[%swap3A_77, %swap3A_78, %swap3A_79] : memref<1x64x2048xf32, #tpu.memory_space<vmem>>, vector<1x64x256xf32>
    %swap3A_81 = vector.shape_cast %swap3A_80 : vector<1x64x256xf32> to vector<64x256xf32>
    %swap3A_82 = vector.shape_cast %transpose3A_76 : vector<64x256xf32> to vector<1x64x256xf32>
    tpu.vector_store %arg6[%swap3A_77, %swap3A_78, %swap3A_79], %swap3A_82 {strides = array<i32>} : memref<1x64x2048xf32, #tpu.memory_space<vmem>>, vector<1x64x256xf32>,
    %slice3A_83 = vector.extract_strided_slice %select_n3A {offsets = [4, 0, 0], sizes = [1, 256, 64], strides = [1, 1, 1]} : vector<8x256x64xf32> to vector<1x256x64xf32>
    %squeeze3A_84 = vector.shape_cast %slice3A_83 : vector<1x256x64xf32> to vector<256x64xf32>
    %transpose3A_85 = tpu.transpose %squeeze3A_84, [1, 0] : vector<256x64xf32> -> vector<64x256xf32>
    %swap3A_86 = arith.constant 0 : index
    %swap3A_87 = arith.constant 0 : index
    %swap3A_88 = arith.constant 1024 : index
    %swap3A_89 = vector.load %arg6[%swap3A_86, %swap3A_87, %swap3A_88] : memref<1x64x2048xf32, #tpu.memory_space<vmem>>, vector<1x64x256xf32>
    %swap3A_90 = vector.shape_cast %swap3A_89 : vector<1x64x256xf32> to vector<64x256xf32>
    %swap3A_91 = vector.shape_cast %transpose3A_85 : vector<64x256xf32> to vector<1x64x256xf32>
    tpu.vector_store %arg6[%swap3A_86, %swap3A_87, %swap3A_88], %swap3A_91 {strides = array<i32>} : memref<1x64x2048xf32, #tpu.memory_space<vmem>>, vector<1x64x256xf32>,
    %slice3A_92 = vector.extract_strided_slice %select_n3A {offsets = [5, 0, 0], sizes = [1, 256, 64], strides = [1, 1, 1]} : vector<8x256x64xf32> to vector<1x256x64xf32>
    %squeeze3A_93 = vector.shape_cast %slice3A_92 : vector<1x256x64xf32> to vector<256x64xf32>
    %transpose3A_94 = tpu.transpose %squeeze3A_93, [1, 0] : vector<256x64xf32> -> vector<64x256xf32>
    %swap3A_95 = arith.constant 0 : index
    %swap3A_96 = arith.constant 0 : index
    %swap3A_97 = arith.constant 1280 : index
    %swap3A_98 = vector.load %arg6[%swap3A_95, %swap3A_96, %swap3A_97] : memref<1x64x2048xf32, #tpu.memory_space<vmem>>, vector<1x64x256xf32>
    %swap3A_99 = vector.shape_cast %swap3A_98 : vector<1x64x256xf32> to vector<64x256xf32>
    %swap3A_100 = vector.shape_cast %transpose3A_94 : vector<64x256xf32> to vector<1x64x256xf32>
    tpu.vector_store %arg6[%swap3A_95, %swap3A_96, %swap3A_97], %swap3A_100 {strides = array<i32>} : memref<1x64x2048xf32, #tpu.memory_space<vmem>>, vector<1x64x256xf32>,
    %slice3A_101 = vector.extract_strided_slice %select_n3A {offsets = [6, 0, 0], sizes = [1, 256, 64], strides = [1, 1, 1]} : vector<8x256x64xf32> to vector<1x256x64xf32>
    %squeeze3A_102 = vector.shape_cast %slice3A_101 : vector<1x256x64xf32> to vector<256x64xf32>
    %transpose3A_103 = tpu.transpose %squeeze3A_102, [1, 0] : vector<256x64xf32> -> vector<64x256xf32>
    %swap3A_104 = arith.constant 0 : index
    %swap3A_105 = arith.constant 0 : index
    %swap3A_106 = arith.constant 1536 : index
    %swap3A_107 = vector.load %arg6[%swap3A_104, %swap3A_105, %swap3A_106] : memref<1x64x2048xf32, #tpu.memory_space<vmem>>, vector<1x64x256xf32>
    %swap3A_108 = vector.shape_cast %swap3A_107 : vector<1x64x256xf32> to vector<64x256xf32>
    %swap3A_109 = vector.shape_cast %transpose3A_103 : vector<64x256xf32> to vector<1x64x256xf32>
    tpu.vector_store %arg6[%swap3A_104, %swap3A_105, %swap3A_106], %swap3A_109 {strides = array<i32>} : memref<1x64x2048xf32, #tpu.memory_space<vmem>>, vector<1x64x256xf32>,
    %slice3A_110 = vector.extract_strided_slice %select_n3A {offsets = [7, 0, 0], sizes = [1, 256, 64], strides = [1, 1, 1]} : vector<8x256x64xf32> to vector<1x256x64xf32>
    %squeeze3A_111 = vector.shape_cast %slice3A_110 : vector<1x256x64xf32> to vector<256x64xf32>
    %transpose3A_112 = tpu.transpose %squeeze3A_111, [1, 0] : vector<256x64xf32> -> vector<64x256xf32>
    %swap3A_113 = arith.constant 0 : index
    %swap3A_114 = arith.constant 0 : index
    %swap3A_115 = arith.constant 1792 : index
    %swap3A_116 = vector.load %arg6[%swap3A_113, %swap3A_114, %swap3A_115] : memref<1x64x2048xf32, #tpu.memory_space<vmem>>, vector<1x64x256xf32>
    %swap3A_117 = vector.shape_cast %swap3A_116 : vector<1x64x256xf32> to vector<64x256xf32>
    %swap3A_118 = vector.shape_cast %transpose3A_112 : vector<64x256xf32> to vector<1x64x256xf32>
    tpu.vector_store %arg6[%swap3A_113, %swap3A_114, %swap3A_115], %swap3A_118 {strides = array<i32>} : memref<1x64x2048xf32, #tpu.memory_space<vmem>>, vector<1x64x256xf32>,
    return
  }
  func.func @transform_0(%arg0: i32) -> (i32, i32, i32, i32) {
    %c0_i32 = arith.constant 0 : i32
    %c0_i32_0 = arith.constant 0 : i32
    %c0_i32_1 = arith.constant 0 : i32
    %c0_i32_2 = arith.constant 0 : i32
    return %arg0, %c0_i32, %c0_i32_0, %c0_i32_1 : i32, i32, i32, i32
  }
  func.func @transform_1(%arg0: i32) -> (i32, i32, i32, i32) {
    %c0_i32 = arith.constant 0 : i32
    %c0_i32_0 = arith.constant 0 : i32
    %c0_i32_1 = arith.constant 0 : i32
    %c0_i32_2 = arith.constant 0 : i32
    return %arg0, %c0_i32, %c0_i32_0, %c0_i32_1 : i32, i32, i32, i32
  }
  func.func @transform_2(%arg0: i32) -> (i32, i32) {
    %c0_i32 = arith.constant 0 : i32
    %c0_i32_0 = arith.constant 0 : i32
    %c0_i32_1 = arith.constant 0 : i32
    return %c0_i32, %c0_i32_0 : i32, i32
  }
  func.func @transform_3(%arg0: i32) -> (i32, i32) {
    %c0_i32 = arith.constant 0 : i32
    %c0_i32_0 = arith.constant 0 : i32
    %c0_i32_1 = arith.constant 0 : i32
    return %c0_i32, %c0_i32_0 : i32, i32
  }
  func.func @transform_4(%arg0: i32) -> (i32, i32) {
    %c0_i32 = arith.constant 0 : i32
    %c0_i32_0 = arith.constant 0 : i32
    %c0_i32_1 = arith.constant 0 : i32
    return %c0_i32, %c0_i32_0 : i32, i32
  }
  func.func @transform_5(%arg0: i32) -> (i32, i32, i32) {
    %c0_i32 = arith.constant 0 : i32
    %c0_i32_0 = arith.constant 0 : i32
    %c0_i32_1 = arith.constant 0 : i32
    return %arg0, %c0_i32, %c0_i32_0 : i32, i32, i32
  }
}

</mosaic_0001>

<sc_bundles>
// kernel: kernel.7.cloned.1.call-start
scs
__scs_entry_jumppad:
0x0: {  	(pc) =	sbr.rel $0x88, $3  }
0x1: {  	(tag) =	ssettag $0x0;
	lr =	simm.s32 $0x1  }
0x2: {  	[smem:$0x3F9A] =	sst lr;
	_ =	strace $0xD0000000  }
0x3: {  	_ = 	snop  }
0x4: {  	_ = 	snop  }
0x5: {  	_ = 	snop  }
0x6: {  	_ = 	snop  }
0x7: {  	_ = 	snop  }
__scs_overlays_trampoline_lowered:
0x8: {  	[smem:$0x3FA9] =	sst s0  }
0x9: {  	[smem:$0x3FAA] =	sst s1  }
0xa: {  	[smem:$0x3FAB] =	sst s2  }
0xb: {  	[smem:$0x3FAC] =	sst s3  }
0xc: {  	[smem:$0x3FAD] =	sst s4  }
0xd: {  	[smem:$0x3FAE] =	sst s5  }
0xe: {  	[smem:$0x3FAF] =	sst s6  }
0xf: {  	[smem:$0x3FB0] =	sst s7  }
0x10: {  	[smem:$0x3FB1] =	sst s8  }
0x11: {  	[smem:$0x3FB2] =	sst s9;
	s0 =	simm.s32 @!p0 $0x0  }
0x12: {  	s1 =	sld [smem:$0x3F98];
	s0 =	simm.s32 @p0 $0x1  }
0x13: {  	[smem:$0x3FB3] =	sst s0;
	s0 =	simm.s32 @!p1 $0x0  }
0x14: {  	s2 =	sld [smem:$0x3F97];
	s0 =	simm.s32 @p1 $0x1  }
0x15: {  	[smem:$0x3FB4] =	sst s0;
	s0 =	simm.s32 @!p2 $0x0  }
0x16: {  	s3 =	sld [smem:$0x3FDB];
	s0 =	simm.s32 @p2 $0x1  }
0x17: {  	s4 =	simm.s32 $0x1BF5;
	[smem:$0x3FB6] =	sst s0  }
0x18: {  	s0 =	sld [smem:$0x3F99];
	_ =	swait.ge [sflag:s4], $0x0  }
0x19: {  	s7 =	sld [smem:$0x3F9A]  }
0x1a: {  	s8 =	sadd.s32 $0xFFFFE003, lr  }
0x1b: {  	s9 =	sadd.s32 $0xFFFFFEF7, lr;
	s5 =	simm.s32 $0xFFFFFFFF;
	p2 =	slt.u32 s8, $0xFFFFF086  }
0x1c: {  	p1 =	slt.u32 s9, $0xF7A;
	s5 =	simm.s32 @!p2 $0x0  }
0x1d: {  	s5 =	simm.s32 @p1 $0x1;
	p0 =	seq.s32 s7, s2  }
0x1e: {  	s7 =	smul.u32 @!p0 $0xF7A, s2;
	p2 =	seq.s32 @!p0 s5, $0x0  }
0x1f: {  	s9 =	smul.u32 $0xF7A, s1;
	s8 =	simm.s32 @!p0 $0x1BF5;
	p2 =	por !p2, p0  }
0x20: {  	[sflag:s8] =	ssyncset.s32 @!p0 $0xFFFFF086;
	s6 =	sadd.s32 @!p0 s3, s7;
	s7 =	simm.s32 @!p0 $0x108  }
0x21: {  	s3 =	sadd.s32 s3, s9;
	s6 =	sadd.s32 @!p0 $0x88, s6;
	s7 =	simm.s32 @p2 $0x1082  }
0x22: {  	[simem:s7], [sflag:s8] =	dma.local @!p0 [hbm:s6], $0xF7A  }
0x23: {  	s9 =	sor.u32 $0xD0000000, s2;
	s6 =	simm.s32 $0x108;
	_ =	swait.ge @!p0 [sflag:s8], $0x0  }
0x24: {  	s3 =	sadd.s32 $0x88, s3;
	s6 =	simm.s32 @!p1 $0x1082;
	[sflag:s4] =	ssyncset.s32 $0xFFFFF086  }
0x25: {  	[simem:s6], [sflag:s4] =	dma.local [hbm:s3], $0xF7A  }
0x26: {  	[smem:$0x3F9A] =	sst s1;
	(tag) =	ssettag s2;
	_ =	strace s9  }
0x27: {  	s1 =	sld [smem:$0x3FAA]  }
0x28: {  	s2 =	sld [smem:$0x3FAB]  }
0x29: {  	s4 =	sld [smem:$0x3FAD]  }
0x2a: {  	p0 =	seq.s32 s5, $0x0;
	s5 =	sld [smem:$0x3FAE]  }
0x2b: {  	s6 =	sld [smem:$0x3FAF]  }
0x2c: {  	s7 =	sld [smem:$0x3FB0]  }
0x2d: {  	s3 =	simm.s32 $0x108;
	s8 =	sld [smem:$0x3FB1]  }
0x2e: {  	s3 =	simm.s32 @!p0 $0x1082;
	s9 =	sld [smem:$0x3FB2]  }
0x2f: {  	lr =	sadd.s32 s0, s3;
	s0 =	sld [smem:$0x3FA9]  }
0x30: {  	s3 =	sld [smem:$0x3FAC]  }
0x31: {  	[smem:$0x3FB5] =	sst s10  }
0x32: {  	s10 =	sld [smem:$0x3FB3];
	_ =	sdelay $0x3  }
0x33: {  	p0 =	seq.s32 s10, $0x1;
	s10 =	sld [smem:$0x3FB5];
	_ =	sdelay $0x3  }
0x34: {  	[smem:$0x3FB5] =	sst s10  }
0x35: {  	s10 =	sld [smem:$0x3FB4];
	_ =	sdelay $0x3  }
0x36: {  	p1 =	seq.s32 s10, $0x1;
	s10 =	sld [smem:$0x3FB5];
	_ =	sdelay $0x3  }
0x37: {  	[smem:$0x3FB5] =	sst s10  }
0x38: {  	s10 =	sld [smem:$0x3FB6]  }
0x39: {  	_ = 	snop;
	(pc) =	sbr.ind lr, $3  }
0x3a: {  	_ = 	snop  }
0x3b: {  	_ = 	snop  }
0x3c: {  	p2 =	seq.s32 s10, $0x1;
	s10 =	sld [smem:$0x3FB5]  }
0x3d: {  	_ =	shalt  }
0x3e: {  	_ =	shalt  }
0x3f: {  	_ =	shalt  }
0x40: {  	_ =	shalt  }
0x41: {  	_ =	shalt  }
0x42: {  	_ =	shalt  }
0x43: {  	_ =	shalt  }
0x44: {  	_ =	shalt  }
0x45: {  	_ =	shalt  }
0x46: {  	_ =	shalt  }
0x47: {  	_ =	shalt  }
0x48: {  	_ =	shalt  }
0x49: {  	_ =	shalt  }
0x4a: {  	_ =	shalt  }
0x4b: {  	_ =	shalt  }
0x4c: {  	_ =	shalt  }
0x4d: {  	_ =	shalt  }
0x4e: {  	_ =	shalt  }
0x4f: {  	_ =	shalt  }
0x50: {  	_ =	shalt  }
0x51: {  	_ =	shalt  }
0x52: {  	_ =	shalt  }
0x53: {  	_ =	shalt  }
0x54: {  	_ =	shalt  }
0x55: {  	_ =	shalt  }
0x56: {  	_ =	shalt  }
0x57: {  	_ =	shalt  }
0x58: {  	_ =	shalt  }
0x59: {  	_ =	shalt  }
0x5a: {  	_ =	shalt  }
0x5b: {  	_ =	shalt  }
0x5c: {  	_ =	shalt  }
0x5d: {  	_ =	shalt  }
0x5e: {  	_ =	shalt  }
0x5f: {  	_ =	shalt  }
0x60: {  	_ =	shalt  }
0x61: {  	_ =	shalt  }
0x62: {  	_ =	shalt  }
0x63: {  	_ =	shalt  }
0x64: {  	_ =	shalt  }
0x65: {  	_ =	shalt  }
0x66: {  	_ =	shalt  }
0x67: {  	_ =	shalt  }
0x68: {  	_ =	shalt  }
0x69: {  	_ =	shalt  }
0x6a: {  	_ =	shalt  }
0x6b: {  	_ =	shalt  }
0x6c: {  	_ =	shalt  }
0x6d: {  	_ =	shalt  }
0x6e: {  	_ =	shalt  }
0x6f: {  	_ =	shalt  }
0x70: {  	_ =	shalt  }
0x71: {  	_ =	shalt  }
0x72: {  	_ =	shalt  }
0x73: {  	_ =	shalt  }
0x74: {  	_ =	shalt  }
0x75: {  	_ =	shalt  }
0x76: {  	_ =	shalt  }
0x77: {  	_ =	shalt  }
0x78: {  	_ =	shalt  }
0x79: {  	_ =	shalt  }
0x7a: {  	_ =	shalt  }
0x7b: {  	_ =	shalt  }
0x7c: {  	_ =	shalt  }
0x7d: {  	_ =	shalt  }
0x7e: {  	_ =	shalt  }
0x7f: {  	_ =	shalt  }
0x80: {  	_ =	shalt  }
0x81: {  	_ =	shalt  }
0x82: {  	_ =	shalt  }
0x83: {  	_ =	shalt  }
0x84: {  	_ =	shalt  }
0x85: {  	_ =	shalt  }
0x86: {  	_ =	shalt  }
0x87: {  	_ =	shalt  }
.Lfunc_end0:
.L_simem_size_0:
called_computation_lowered:
.L_overlay_start_0:
0x88: {  	s2 =	sld [smem:$0x3FD9]  }
0x89: {  	s3 =	sld [smem:$0x3FFE];
	_ =	sdelay $0x1  }
0x8a: {  	s1 =	srdreg.scid  }
0x8b: {  	s0 =	sand.u32 $0x1, s1  }
0x8c: {  	s17 =	sshll.u32 s0, $0xA;
	s2 =	sadd.s32 s3, s2  }
0x8d: {  	s2 =	sadd.s32 s2, s17  }
0x8e: {  	[smem:$0x3FC1] =	sst s2  }
0x8f: {  	_ = 	snop  }
0x90: {  	s2 =	sld [smem:$0x3FD0];
	(tm) =	ssettm $0x1  }
0x91: {  	s18 =	sld [smem:$0x3FFB];
	_ =	sdelay $0x3  }
0x92: {  	_ =	strace s18  }
0x93: {  	s3 =	sld [smem:$0x3FFC];
	_ =	sdelay $0x3  }
0x94: {  	_ =	strace s3  }
0x95: {  	s3 =	sld [smem:$0x3FFD];
	_ =	sdelay $0x3  }
0x96: {  	_ =	strace s3  }
0x97: {  	_ =	strace $0x8FFFFFFF  }
0x98: {  	s19 =	sld [smem:$0x3FDB];
	_ =	sdelay $0x1  }
0x99: {  	s4 =	simm.s32 $_scs_section_size  }
0x9a: {  	s5 =	simm.s32 $_size__tile_overlayer_lowered;
	s6 =	simm.s32 $_tile_overlayer_lowered  }
0x9b: {  	s22 =	simm.s32 $0x1BFF;
	s21 =	sshll.u32 s6, $0x1;
	s3 =	sadd.s32 s4, s19  }
0x9c: {  	s7 =	simm.s32 $0x0;
	s20 =	sshll.u32 s5, $0x1;
	s5 =	sadd.s32 s21, s3  }
0x9d: {  	[timem:s7], [sflag:s22] =	dma.local [hbm:s5], s20  }
0x9e: {  	_ =	swait.ge [sflag:s22], s20  }
0x9f: {  	s4 =	ssub.s32 $0x0, s20;
	[sflag:s22] =	ssyncset.done $0x0  }
0xa0: {  	[sflag:s22] =	ssyncadd.s32 s4;
	_ =	sdelay $0x1  }
0xa1: {  	s23 =	simm.s32 $0x1B8B  }
0xa2: {  	_ =	swait.ge [sflag:s23], $0x1  }
0xa3: {  	[sflag:s23] =	ssyncset.done $0x0  }
0xa4: {  	s25 =	simm.s32 $0x1B8E;
	s24 =	sld [smem:$0x3FFE];
	[sflag:s23] =	ssyncadd.s32 $0xFFFFFFFF  }
0xa5: {  	s26 =	simm.s32 $execute0_lowered;
	[smem:$0x3FD2] =	sst s25  }
0xa6: {  	s5 =	sshll.u32 s26, $0x1;
	_ =	strace $0x80000046;
	[dreg:$0x1] =	wrdreg $0xFFFFFFFF  }
0xa7: {  	s28 =	simm.s32 $_size_execute0_lowered;
	s3 =	sadd.s32 s3, s5;
	[dreg:$0x0] =	wrdreg $0x0  }
0xa8: {  	s5 =	sshll.u32 s28, $0x1;
	[dreg:$0x2] =	wrdreg s3  }
0xa9: {  	[dreg:$0x3] =	wrdreg s5  }
0xaa: {  	[dreg:$0x4] =	wrdreg $0xC0  }
0xab: {  	_ =	task [dreg:s7], $0x5FFFF  }
0xac: {  	[dreg:$0x1] =	wrdreg $0xFFFFFFFF  }
0xad: {  	[dreg:$0x0] =	wrdreg $0x60  }
0xae: {  	[dreg:$0x2] =	wrdreg s24  }
0xaf: {  	[dreg:$0x3] =	wrdreg s2  }
0xb0: {  	[dreg:$0x4] =	wrdreg $0x9  }
0xb1: {  	_ =	task.clear_ibuf [dreg:s7], $0x5FFFF;
	_ =	strace $0x90000046  }
0xb2: {  	s29 =	simm.s32 $0x9;
	_ =	strace $0x80000048  }
0xb3: {  	_ =	swait.ge [sflag:s29], $0x1  }
0xb4: {  	[sflag:s29] =	ssyncadd.s32 $0xFFFFFFFF  }
0xb5: {  	_ =	strace $0x90000048  }
0xb6: {  	_ =	sfence  }
0xb7: {  	s30 =	sld [smem:$0x0];
	_ =	sdelay $0x2  }
0xb8: {  	s31 =	sshll.u32 s1, $0xD;
	s1 =	sshrl.u32 s1, $0x2  }
0xb9: {  	s3 =	sand.u32 $0x4000, s31;
	s1 =	sadd.s32 s1, s30  }
0xba: {  	s0 =	sor.u32 s3, s0;
	s1 =	sshll.u32 s1, $0x11  }
0xbb: {  	s0 =	sor.u32 s1, s0  }
0xbc: {  	s0 =	sadd.s32 $0x8F2B, s0  }
0xbd: {  	[sflag:s0] =	ssyncadd.remote.s32 $0x1  }
0xbe: {  	_ =	sfence.sel $0xFFFF  }
0xbf: {  	[dreg:$0x0] =	wrdreg $0xFFFFFFFF;
	(pc) =	sbr.abs _section_cstart, $3  }
0xc0: {  	[dreg:$0x1] =	wrdreg $0xFFFFFFFF  }
0xc1: {  	_ =	task.clear_ibuf [dreg:s7], $0x2FFFF;
	_ =	strace $0x9FFFFFFF  }
0xc2: {  	(tm) =	ssettm $0x7FFFFFFF  }
0xc3: {  	_ =	shalt  }
tec
execute0_lowered:
.L_overlay_start_1:
0x0: {  	(tag) =	ssettag $0x1  }
0x1: {  	s1 =	srdreg.scid;
	s4 =	rddreg [dreg:$0x0]  }
0x2: {  	s0 =	stileid.u32;
	s7 =	rddreg [dreg:$0x1];
	s2 =	simm.s32 $0x0  }
0x3: {  	s11 =	simm.s32 $0x3000;
	s12 =	simm.s32 $0x3800;
	s13 =	simm.s32 $0x4000  }
0x4: {  	s14 =	simm.s32 $0x4800;
	s15 =	simm.s32 $0x5000;
	s16 =	simm.s32 $0x5800  }
0x5: {  	s17 =	simm.s32 $0x6000;
	s18 =	simm.s32 $0x1;
	s6 =	smul.u32 $0x50000, s0  }
0x6: {  	s19 =	simm.s32 $0x2;
	s5 =	sand.u32 $0x1, s1;
	s9 =	smul.u32 $0x5000, s0  }
0x7: {  	s20 =	simm.s32 $0x0;
	s1 =	rddreg [dreg:$0x2];
	s8 =	smul.u32 $0x28000, s5  }
0x8: {  	[smem:$0x7FF] =	sst s2;
	s3 =	sadd.s32 $0x1A00, s4;
	s10 =	smul.u32 $0x2800, s5  }
0x9: {  	s4 =	sadd.s32 $0x9A00, s4;
	s24 =	sshll.u32 s0, $0x1;
	_ =	strace $0x80000047  }
0xa: {  	s22 =	ssub.s32 $0x2, s5;
	s6 =	sadd.s32 s8, s6;
	s21 =	sadd.s32 s10, s9  }
0xb: {  	s23 =	sshrl.u32 s22, $0x1;
	s6 =	sshrl.u32 s6, $0x3;
	s8 =	sshll.u32 s21, $0x1  }
0xc: {  	s29 =	ssub.s32 s22, s23;
	s6 =	sadd.s32 s6, s4;
	s8 =	sadd.s32 s8, s4  }
0xd: {  	s9 =	simm.s32 $0x80;
	[dreg:$0x3] =	wrdreg s6;
	s25 =	sadd.s32 $0x600, s8  }
0xe: {  	s10 =	simm.s32 $0x2800;
	s26 =	sadd.s32 $0x500, s8;
	[dreg:$0x4] =	wrdreg s25  }
0xf: {  	s4 =	sor.u32 s5, s24;
	s28 =	sadd.s32 $0x400, s8;
	[dreg:$0x5] =	wrdreg s26  }
0x10: {  	s4 =	smul.u32 $0x2800, s4;
	s30 =	sadd.s32 $0x300, s8;
	[dreg:$0x6] =	wrdreg s28  }
0x11: {  	s5 =	smax.u32 s29, $0x1;
	s31 =	sadd.s32 $0x200, s8;
	[dreg:$0x7] =	wrdreg s30  }
0x12: {  	s6 =	sadd.s32 $0x100, s8;
	[dreg:$0x8] =	wrdreg s31;
	s4 =	sshrl.u32 s4, $0x3  }
0x13: {  	s4 =	sadd.s32 s7, s4;
	s7 =	sadd.s32 $0x700, s8;
	s8 =	simm.s32 $0x3  }
.LBB2_1:
0x14: {  	[tilespmem:s2], [sflag:$0x3] =	stream.linear.gather [hbm4b:s4+s2], $0x2800, $0x38;
	[tilespmem:$0x6800] =	vst v63  }
0x15: {  	_ =	swait.ge [sflag:s8], $0x2800  }
0x16: {  	[sflag:s8] =	ssyncset.done $0x0  }
0x17: {  	[sflag:s8] =	ssyncadd.s32 $0xFFFFD800  }
0x18: {  	[tilespmem:s10], [sflag:$0x1] =	stream.indirect.gather [hbm4b:s3+s9], $0x10, s2, s9, $0xb8;
	[tilespmem:$0x6800] =	vst v63  }
0x19: {  	s21 =	simm.s32 $0x80  }
0x1a: {  	[tilespmem:s11], [sflag:$0x1] =	stream.indirect.gather [hbm4b:s3+s9], $0x10, s21, s9, $0xb8;
	[tilespmem:$0x6800] =	vst v63  }
0x1b: {  	s31 =	simm.s32 $0x100  }
0x1c: {  	[tilespmem:s12], [sflag:$0x1] =	stream.indirect.gather [hbm4b:s3+s9], $0x10, s31, s9, $0xb8;
	[tilespmem:$0x6800] =	vst v63  }
0x1d: {  	s22 =	simm.s32 $0x180  }
0x1e: {  	[tilespmem:s13], [sflag:$0x1] =	stream.indirect.gather [hbm4b:s3+s9], $0x10, s22, s9, $0xb8;
	[tilespmem:$0x6800] =	vst v63  }
0x1f: {  	s23 =	simm.s32 $0x200  }
0x20: {  	[tilespmem:s14], [sflag:$0x1] =	stream.indirect.gather [hbm4b:s3+s9], $0x10, s23, s9, $0xb8;
	[tilespmem:$0x6800] =	vst v63  }
0x21: {  	s24 =	simm.s32 $0x280  }
0x22: {  	[tilespmem:s15], [sflag:$0x1] =	stream.indirect.gather [hbm4b:s3+s9], $0x10, s24, s9, $0xb8;
	[tilespmem:$0x6800] =	vst v63  }
0x23: {  	s25 =	simm.s32 $0x300  }
0x24: {  	[tilespmem:s16], [sflag:$0x1] =	stream.indirect.gather [hbm4b:s3+s9], $0x10, s25, s9, $0xb8;
	[tilespmem:$0x6800] =	vst v63  }
0x25: {  	s26 =	simm.s32 $0x380  }
0x26: {  	[tilespmem:s17], [sflag:$0x1] =	stream.indirect.gather [hbm4b:s3+s9], $0x10, s26, s9, $0xb8;
	[tilespmem:$0x6800] =	vst v63  }
0x27: {  	_ =	swait.ge [sflag:s18], $0x800  }
0x28: {  	[sflag:s18] =	ssyncset.done $0x0  }
0x29: {  	[sflag:s18] =	ssyncadd.s32 $0xFFFFF800  }
0x2a: {  	_ =	swait.ge [sflag:s18], $0x800  }
0x2b: {  	[sflag:s18] =	ssyncset.done $0x0  }
0x2c: {  	[sflag:s18] =	ssyncadd.s32 $0xFFFFF800  }
0x2d: {  	_ =	swait.ge [sflag:s18], $0x800  }
0x2e: {  	[sflag:s18] =	ssyncset.done $0x0  }
0x2f: {  	[sflag:s18] =	ssyncadd.s32 $0xFFFFF800  }
0x30: {  	_ =	swait.ge [sflag:s18], $0x800  }
0x31: {  	[sflag:s18] =	ssyncset.done $0x0  }
0x32: {  	[sflag:s18] =	ssyncadd.s32 $0xFFFFF800  }
0x33: {  	_ =	swait.ge [sflag:s18], $0x800  }
0x34: {  	[sflag:s18] =	ssyncset.done $0x0  }
0x35: {  	[sflag:s18] =	ssyncadd.s32 $0xFFFFF800  }
0x36: {  	_ =	swait.ge [sflag:s18], $0x800  }
0x37: {  	[sflag:s18] =	ssyncset.done $0x0  }
0x38: {  	[sflag:s18] =	ssyncadd.s32 $0xFFFFF800  }
0x39: {  	_ =	swait.ge [sflag:s18], $0x800  }
0x3a: {  	[sflag:s18] =	ssyncset.done $0x0  }
0x3b: {  	[sflag:s18] =	ssyncadd.s32 $0xFFFFF800  }
0x3c: {  	_ =	swait.ge [sflag:s18], $0x800  }
0x3d: {  	s28 =	rddreg [dreg:$0x3];
	[sflag:s18] =	ssyncset.done $0x0  }
0x3e: {  	[sflag:s18] =	ssyncadd.s32 $0xFFFFF800;
	s21 =	sadd.s32 $0x0, s28  }
0x3f: {  	[hbm4b:s21+s2] =	stream.linear.scatter [tilespmem:s10], [sflag:$0x2], $0x800, $0x38;
	[tilespmem:$0x6800] =	vst v63  }
0x40: {  	s29 =	sadd.s32 $0x0, s6;
	s22 =	rddreg [dreg:$0x8]  }
0x41: {  	[hbm4b:s29+s2] =	stream.linear.scatter [tilespmem:s11], [sflag:$0x2], $0x800, $0x38;
	[tilespmem:$0x6800] =	vst v63  }
0x42: {  	s23 =	rddreg [dreg:$0x7];
	s30 =	sadd.s32 $0x0, s22  }
0x43: {  	[hbm4b:s30+s2] =	stream.linear.scatter [tilespmem:s12], [sflag:$0x2], $0x800, $0x38;
	[tilespmem:$0x6800] =	vst v63  }
0x44: {  	s31 =	rddreg [dreg:$0x6];
	s24 =	sadd.s32 $0x0, s23  }
0x45: {  	[hbm4b:s24+s2] =	stream.linear.scatter [tilespmem:s13], [sflag:$0x2], $0x800, $0x38;
	[tilespmem:$0x6800] =	vst v63  }
0x46: {  	s25 =	rddreg [dreg:$0x5];
	s26 =	sadd.s32 $0x0, s31  }
0x47: {  	[hbm4b:s26+s2] =	stream.linear.scatter [tilespmem:s14], [sflag:$0x2], $0x800, $0x38;
	[tilespmem:$0x6800] =	vst v63  }
0x48: {  	s28 =	rddreg [dreg:$0x4];
	s29 =	sadd.s32 $0x0, s25  }
0x49: {  	[hbm4b:s29+s2] =	stream.linear.scatter [tilespmem:s15], [sflag:$0x2], $0x800, $0x38;
	[tilespmem:$0x6800] =	vst v63  }
0x4a: {  	s30 =	sadd.s32 $0x0, s28  }
0x4b: {  	[hbm4b:s30+s2] =	stream.linear.scatter [tilespmem:s16], [sflag:$0x2], $0x800, $0x38;
	[tilespmem:$0x6800] =	vst v63  }
0x4c: {  	s31 =	sadd.s32 $0x0, s7  }
0x4d: {  	[hbm4b:s31+s2] =	stream.linear.scatter [tilespmem:s17], [sflag:$0x2], $0x800, $0x38;
	[tilespmem:$0x6800] =	vst v63  }
0x4e: {  	_ =	swait.ge [sflag:s19], $0x800  }
0x4f: {  	[sflag:s19] =	ssyncset.done $0x0  }
0x50: {  	[sflag:s19] =	ssyncadd.s32 $0xFFFFF800  }
0x51: {  	_ =	swait.ge [sflag:s19], $0x800  }
0x52: {  	[sflag:s19] =	ssyncset.done $0x0  }
0x53: {  	[sflag:s19] =	ssyncadd.s32 $0xFFFFF800  }
0x54: {  	_ =	swait.ge [sflag:s19], $0x800  }
0x55: {  	[sflag:s19] =	ssyncset.done $0x0  }
0x56: {  	[sflag:s19] =	ssyncadd.s32 $0xFFFFF800  }
0x57: {  	_ =	swait.ge [sflag:s19], $0x800  }
0x58: {  	[sflag:s19] =	ssyncset.done $0x0  }
0x59: {  	[sflag:s19] =	ssyncadd.s32 $0xFFFFF800  }
0x5a: {  	_ =	swait.ge [sflag:s19], $0x800  }
0x5b: {  	[sflag:s19] =	ssyncset.done $0x0  }
0x5c: {  	[sflag:s19] =	ssyncadd.s32 $0xFFFFF800  }
0x5d: {  	_ =	swait.ge [sflag:s19], $0x800  }
0x5e: {  	[sflag:s19] =	ssyncset.done $0x0  }
0x5f: {  	[sflag:s19] =	ssyncadd.s32 $0xFFFFF800  }
0x60: {  	_ =	swait.ge [sflag:s19], $0x800  }
0x61: {  	[sflag:s19] =	ssyncset.done $0x0  }
0x62: {  	[sflag:s19] =	ssyncadd.s32 $0xFFFFF800  }
0x63: {  	_ =	swait.ge [sflag:s19], $0x800  }
0x64: {  	s22 =	simm.s32 $0x0;
	s21 =	simm.s32 $0x800;
	[sflag:s19] =	ssyncset.done $0x0  }
.LBB2_2:
0x65: {  	[sflag:s19] =	ssyncadd.s32 $0xFFFFF800;
	s22 =	sadd.s32 $0x400, s22  }
0x66: {  	[tilespmem:s10], [sflag:$0x1] =	stream.indirect.gather [hbm4b:s3+s9], $0x10, s22, s9, $0xb8;
	[tilespmem:$0x6800] =	vst v63  }
0x67: {  	s24 =	sadd.s32 $0x80, s22  }
0x68: {  	[tilespmem:s11], [sflag:$0x1] =	stream.indirect.gather [hbm4b:s3+s9], $0x10, s24, s9, $0xb8;
	[tilespmem:$0x6800] =	vst v63  }
0x69: {  	s30 =	sadd.s32 $0x100, s22  }
0x6a: {  	[tilespmem:s12], [sflag:$0x1] =	stream.indirect.gather [hbm4b:s3+s9], $0x10, s30, s9, $0xb8;
	[tilespmem:$0x6800] =	vst v63  }
0x6b: {  	s31 =	sadd.s32 $0x180, s22  }
0x6c: {  	[tilespmem:s13], [sflag:$0x1] =	stream.indirect.gather [hbm4b:s3+s9], $0x10, s31, s9, $0xb8;
	[tilespmem:$0x6800] =	vst v63  }
0x6d: {  	s25 =	sadd.s32 $0x200, s22  }
0x6e: {  	[tilespmem:s14], [sflag:$0x1] =	stream.indirect.gather [hbm4b:s3+s9], $0x10, s25, s9, $0xb8;
	[tilespmem:$0x6800] =	vst v63  }
0x6f: {  	s26 =	sadd.s32 $0x280, s22  }
0x70: {  	[tilespmem:s15], [sflag:$0x1] =	stream.indirect.gather [hbm4b:s3+s9], $0x10, s26, s9, $0xb8;
	[tilespmem:$0x6800] =	vst v63  }
0x71: {  	s28 =	sadd.s32 $0x300, s22  }
0x72: {  	[tilespmem:s16], [sflag:$0x1] =	stream.indirect.gather [hbm4b:s3+s9], $0x10, s28, s9, $0xb8;
	[tilespmem:$0x6800] =	vst v63  }
0x73: {  	s29 =	sadd.s32 $0x380, s22  }
0x74: {  	[tilespmem:s17], [sflag:$0x1] =	stream.indirect.gather [hbm4b:s3+s9], $0x10, s29, s9, $0xb8;
	[tilespmem:$0x6800] =	vst v63  }
0x75: {  	_ =	swait.ge [sflag:s18], $0x800  }
0x76: {  	[sflag:s18] =	ssyncset.done $0x0  }
0x77: {  	[sflag:s18] =	ssyncadd.s32 $0xFFFFF800  }
0x78: {  	_ =	swait.ge [sflag:s18], $0x800  }
0x79: {  	[sflag:s18] =	ssyncset.done $0x0  }
0x7a: {  	[sflag:s18] =	ssyncadd.s32 $0xFFFFF800  }
0x7b: {  	_ =	swait.ge [sflag:s18], $0x800  }
0x7c: {  	[sflag:s18] =	ssyncset.done $0x0  }
0x7d: {  	[sflag:s18] =	ssyncadd.s32 $0xFFFFF800  }
0x7e: {  	_ =	swait.ge [sflag:s18], $0x800  }
0x7f: {  	[sflag:s18] =	ssyncset.done $0x0  }
0x80: {  	[sflag:s18] =	ssyncadd.s32 $0xFFFFF800  }
0x81: {  	_ =	swait.ge [sflag:s18], $0x800  }
0x82: {  	[sflag:s18] =	ssyncset.done $0x0  }
0x83: {  	[sflag:s18] =	ssyncadd.s32 $0xFFFFF800  }
0x84: {  	_ =	swait.ge [sflag:s18], $0x800  }
0x85: {  	[sflag:s18] =	ssyncset.done $0x0  }
0x86: {  	[sflag:s18] =	ssyncadd.s32 $0xFFFFF800  }
0x87: {  	_ =	swait.ge [sflag:s18], $0x800  }
0x88: {  	[sflag:s18] =	ssyncset.done $0x0  }
0x89: {  	[sflag:s18] =	ssyncadd.s32 $0xFFFFF800  }
0x8a: {  	_ =	swait.ge [sflag:s18], $0x800  }
0x8b: {  	s23 =	smov.u32 s21;
	s30 =	rddreg [dreg:$0x3];
	[sflag:s18] =	ssyncset.done $0x0  }
0x8c: {  	[sflag:s18] =	ssyncadd.s32 $0xFFFFF800;
	s24 =	sadd.s32 s23, s30  }
0x8d: {  	[hbm4b:s24+s2] =	stream.linear.scatter [tilespmem:s10], [sflag:$0x2], $0x800, $0x38;
	[tilespmem:$0x6800] =	vst v63  }
0x8e: {  	s31 =	sadd.s32 s23, s6;
	s25 =	rddreg [dreg:$0x8]  }
0x8f: {  	[hbm4b:s31+s2] =	stream.linear.scatter [tilespmem:s11], [sflag:$0x2], $0x800, $0x38;
	[tilespmem:$0x6800] =	vst v63  }
0x90: {  	s26 =	rddreg [dreg:$0x7];
	s28 =	sadd.s32 s23, s25  }
0x91: {  	[hbm4b:s28+s2] =	stream.linear.scatter [tilespmem:s12], [sflag:$0x2], $0x800, $0x38;
	[tilespmem:$0x6800] =	vst v63  }
0x92: {  	s29 =	rddreg [dreg:$0x6];
	s30 =	sadd.s32 s23, s26  }
0x93: {  	[hbm4b:s30+s2] =	stream.linear.scatter [tilespmem:s13], [sflag:$0x2], $0x800, $0x38;
	[tilespmem:$0x6800] =	vst v63  }
0x94: {  	s31 =	rddreg [dreg:$0x5];
	s28 =	sadd.s32 s23, s29  }
0x95: {  	[hbm4b:s28+s2] =	stream.linear.scatter [tilespmem:s14], [sflag:$0x2], $0x800, $0x38;
	[tilespmem:$0x6800] =	vst v63  }
0x96: {  	s29 =	rddreg [dreg:$0x4];
	s30 =	sadd.s32 s23, s31  }
0x97: {  	[hbm4b:s30+s2] =	stream.linear.scatter [tilespmem:s15], [sflag:$0x2], $0x800, $0x38;
	[tilespmem:$0x6800] =	vst v63  }
0x98: {  	s31 =	sadd.s32 s23, s29  }
0x99: {  	[hbm4b:s31+s2] =	stream.linear.scatter [tilespmem:s16], [sflag:$0x2], $0x800, $0x38;
	[tilespmem:$0x6800] =	vst v63  }
0x9a: {  	s23 =	sadd.s32 s23, s7  }
0x9b: {  	[hbm4b:s23+s2] =	stream.linear.scatter [tilespmem:s17], [sflag:$0x2], $0x800, $0x38;
	[tilespmem:$0x6800] =	vst v63  }
0x9c: {  	_ =	swait.ge [sflag:s19], $0x800  }
0x9d: {  	[sflag:s19] =	ssyncset.done $0x0  }
0x9e: {  	[sflag:s19] =	ssyncadd.s32 $0xFFFFF800  }
0x9f: {  	_ =	swait.ge [sflag:s19], $0x800  }
0xa0: {  	[sflag:s19] =	ssyncset.done $0x0  }
0xa1: {  	[sflag:s19] =	ssyncadd.s32 $0xFFFFF800  }
0xa2: {  	_ =	swait.ge [sflag:s19], $0x800  }
0xa3: {  	[sflag:s19] =	ssyncset.done $0x0  }
0xa4: {  	[sflag:s19] =	ssyncadd.s32 $0xFFFFF800  }
0xa5: {  	_ =	swait.ge [sflag:s19], $0x800  }
0xa6: {  	[sflag:s19] =	ssyncset.done $0x0  }
0xa7: {  	[sflag:s19] =	ssyncadd.s32 $0xFFFFF800  }
0xa8: {  	_ =	swait.ge [sflag:s19], $0x800  }
0xa9: {  	[sflag:s19] =	ssyncset.done $0x0  }
0xaa: {  	[sflag:s19] =	ssyncadd.s32 $0xFFFFF800  }
0xab: {  	_ =	swait.ge [sflag:s19], $0x800  }
0xac: {  	[sflag:s19] =	ssyncset.done $0x0  }
0xad: {  	p0 =	sne.s32 s21, $0x4800;
	[sflag:s19] =	ssyncadd.s32 $0xFFFFF800  }
.Ltmp0:
0xae: {  	_ =	swait.ge [sflag:s19], $0x800;
	(pc) =	sbr.rel @p0 .LBB2_2-.Ltmp0, $4  }
0xaf: {  	[sflag:s19] =	ssyncset.done $0x0  }
0xb0: {  	[sflag:s19] =	ssyncadd.s32 $0xFFFFF800  }
0xb1: {  	_ =	swait.ge [sflag:s19], $0x800  }
0xb2: {  	s21 =	sadd.s32 $0x800, s21;
	[sflag:s19] =	ssyncset.done $0x0  }
0xb3: {  	s20 =	sadd.s32 $0x1, s20  }
0xb4: {  	p0 =	sne.s32 s20, s5  }
.Ltmp1:
0xb5: {  	_ = 	snop;
	(pc) =	sbr.rel @p0 .LBB2_1-.Ltmp1, $2  }
0xb6: {  	_ =	sdelay $0x2  }
0xb7: {  	[sflag:s19] =	ssyncadd.s32 $0xFFFFF800  }
0xb8: {  	_ =	sfence.sel $0x180000  }
0xb9: {  	[bflag:$0x0] =	sbarrier.arrive $0xFFFF  }
0xba: {  	p0 =	sne.s32 s0, $0x0;
	_ =	strace $0x90000047  }
0xbb: {  	s0 =	sadd.s32 @!p0 $0x100000, s1;
	[bflag:$0x2] =	sbarrier.arrive $0xFFFF  }
0xbc: {  	[sflag:s0] =	ssyncadd.tile.s32 @!p0 $0x1;
	_ =	shalt  }
.Lfunc_end2:
_tile_overlayer_lowered:
.L_overlay_start_2:
0xbd: {  	(tag) =	ssettag $0x2  }
0xbe: {  	s0 =	rddreg [dreg:$0x0];
	s2 =	stileid.u32  }
0xbf: {  	s1 =	rddreg [dreg:$0x1];
	p0 =	sne.s32 s2, $0x0  }
0xc0: {  	s3 =	rddreg [dreg:$0x2];
	[bflag:$0x3] =	sbarrier.arrive $0xFFFF;
	s2 =	simm.s32 @!p0 $0x1C03  }
0xc1: {  	[timem:s3], [sflag:s2] =	dma.local @!p0 [hbm:s0], s1  }
0xc2: {  	s0 =	simm.s32 @!p0 $0x3  }
0xc3: {  	_ =	swait.ge @!p0 [sflag:s0], s1  }
0xc4: {  	s1 =	ssub.s32 @!p0 $0x0, s1;
	[sflag:s0] =	ssyncset.done @!p0 $0x0  }
0xc5: {  	[sflag:s0] =	ssyncadd.s32 @!p0 s1  }
0xc6: {  	[bflag:$0x3] =	sbarrier.arrive $0xFFFF  }
0xc7: {  	_ =	shalt  }

</sc_bundles>
